<compile_context>
chip_gen: v7x
topology: tpu7x:2x2x1
jax: 0.10.2.dev20260603
libtpu: 0.0.44.dev20260713+nightly
codegen_flags: <defaults>
</compile_context>

<pallas_src>
import functools

import jax
import jax.numpy as jnp
from jax.experimental import pallas as pl
from jax.experimental.pallas import tpu as pltpu
from jax.experimental.pallas import tpu_sc as plsc

_C = 256
_D = 512
_K = 1000
_H = 64
_W = 64
_NB = 16
_B = 8
_N = _B * _NB
_BLEND = 0.35
_CTX_BLEND = 0.25
_PREC = jax.lax.Precision.DEFAULT
_SLAB = 64


def _sc_count_scatter(lab_hbm, cnt_hbm, lab_v, cnt_v):
    w = jax.lax.axis_index("s")
    base = jnp.minimum(w * _SLAB, _K - _SLAB)
    pltpu.sync_copy(lab_hbm, lab_v)
    zero16 = jnp.zeros((16,), jnp.float32)
    ones16 = jnp.ones((16,), jnp.float32)

    def _zero_row(i, carry):
        cnt_v[i, :] = zero16
        return carry

    jax.lax.fori_loop(0, _SLAB, _zero_row, 0)

    def _accum_group(g, carry):
        labs16 = lab_v[pl.ds(g * 16, 16)]
        for r in range(16):
            t = labs16[r] - base

            @pl.when((t >= 0) & (t < _SLAB))
            def _(t=t):
                cnt_v[t, :] = cnt_v[t, :] + ones16

        return carry

    jax.lax.fori_loop(0, _N // 16, _accum_group, 0)
    pltpu.sync_copy(cnt_v, cnt_hbm.at[pl.ds(base, _SLAB)])


_sc_segment_count = functools.partial(
    pl.kernel,
    out_type=jax.ShapeDtypeStruct((_K, 16), jnp.float32),
    mesh=plsc.VectorSubcoreMesh(core_axis_name="c", subcore_axis_name="s",
                                num_cores=1),
    scratch_types=[
        pltpu.VMEM((_N,), jnp.int32),
        pltpu.VMEM((_SLAB, 16), jnp.float32),
    ],
)(_sc_count_scatter)


def _main_kernel(feat_ref, boxes_ref, whwh_ref, w_ref, g_ref, b_ref,
                 labels_ref, cnt_ref, bank_ref, text_ref, out_ref, pooled_acc):
    i = pl.program_id(0)
    feat = feat_ref[0]
    bx = boxes_ref[0]
    wh = whwh_ref[0]
    img_w = jnp.maximum(wh[0:1, 0:1], 1.0)
    img_h = jnp.maximum(wh[0:1, 1:2], 1.0)
    scaled = bx * wh
    x1 = jnp.clip(jnp.floor(scaled[:, 0:1] / img_w * _W), 0.0, _W - 1.0)
    y1 = jnp.clip(jnp.floor(scaled[:, 1:2] / img_h * _H), 0.0, _H - 1.0)
    x2 = jnp.maximum(x1 + 1.0, jnp.minimum(float(_W), jnp.ceil(scaled[:, 2:3] / img_w * _W)))
    y2 = jnp.maximum(y1 + 1.0, jnp.minimum(float(_H), jnp.ceil(scaled[:, 3:4] / img_h * _H)))
    p = jax.lax.broadcasted_iota(jnp.int32, (_NB, _H * _W), 1)
    ym = (p // _W).astype(jnp.float32)
    xm = (p % _W).astype(jnp.float32)
    mask = ((ym >= y1) & (ym < y2) & (xm >= x1) & (xm < x2)).astype(jnp.float32)
    mask17 = jnp.concatenate([mask, jnp.ones((1, _H * _W), jnp.float32)], axis=0)
    sums17 = jax.lax.dot_general(mask17, feat, (((1,), (1,)), ((), ())),
                                 preferred_element_type=jnp.float32,
                                 precision=_PREC)
    area = (x2 - x1) * (y2 - y1)
    pooled_acc[pl.ds(i * _NB, _NB), :] = sums17[:_NB] / jnp.maximum(area, 1.0)
    pooled_acc[pl.ds(_N + i, 1), :] = sums17[_NB:] * (1.0 / (_H * _W))

    @pl.when(i == _B - 1)
    def _():
        x = pooled_acc[...]
        h = jax.lax.dot_general(x, w_ref[...], (((1,), (0,)), ((), ())),
                                preferred_element_type=jnp.float32,
                                precision=_PREC)
        mu = jnp.mean(h, axis=-1, keepdims=True)
        var = jnp.mean((h - mu) ** 2, axis=-1, keepdims=True)
        hn = (h - mu) / jnp.sqrt(var + 1e-5) * g_ref[...] + b_ref[...]
        nrm = jnp.sqrt(jnp.sum(hn * hn, axis=-1, keepdims=True))
        v = hn / jnp.maximum(nrm, 1e-6)
        vis = v[:_N]
        proj = v[_N:]

        labels = labels_ref[...]
        cls_iota = jax.lax.broadcasted_iota(jnp.int32, (_N, _K), 1)
        onehot = (labels == cls_iota).astype(jnp.float32)
        sums = jax.lax.dot_general(onehot, vis, (((0,), (0,)), ((), ())),
                                   preferred_element_type=jnp.float32,
                                   precision=_PREC)
        cnts = cnt_ref[...]
        cls_mean = sums / jnp.maximum(cnts, 1.0)
        cn = jnp.sqrt(jnp.sum(cls_mean * cls_mean, axis=-1, keepdims=True))
        updated = cls_mean / jnp.maximum(cn, 1e-6)
        bank_new = jnp.where(cnts > 0.0, updated, bank_ref[...])

        logits = jax.lax.dot_general(proj, bank_new, (((1,), (1,)), ((), ())),
                                     preferred_element_type=jnp.float32,
                                     precision=_PREC)
        m = jnp.max(logits, axis=-1, keepdims=True)
        e = jnp.exp(logits - m)
        wts = e / jnp.sum(e, axis=-1, keepdims=True)

        box_img = jax.lax.broadcasted_iota(jnp.int32, (_B, _N), 1) // _NB
        img_sel = (box_img == jax.lax.broadcasted_iota(jnp.int32, (_B, _N), 0)
                   ).astype(jnp.float32)
        img_cnt = jax.lax.dot_general(img_sel, onehot, (((1,), (0,)), ((), ())),
                                      preferred_element_type=jnp.float32,
                                      precision=_PREC)
        coeff = jnp.concatenate([wts, img_cnt * (1.0 / _NB)], axis=0)
        ctxs = jax.lax.dot_general(coeff, bank_new, (((1,), (0,)), ((), ())),
                                   preferred_element_type=jnp.float32,
                                   precision=_PREC)
        sim_ctx = ctxs[:_B]
        label_ctx = ctxs[_B:]
        ctx = (1.0 - _CTX_BLEND) * label_ctx + _CTX_BLEND * sim_ctx

        t = (1.0 - _BLEND) * text_ref[...]
        for b in range(_B):
            fused = t + _BLEND * ctx[b:b + 1, :]
            n = jnp.sqrt(jnp.sum(fused * fused, axis=-1, keepdims=True))
            out_ref[b] = fused / jnp.maximum(n, 1e-6)


def kernel(feature_map, text_features, boxes, labels, whwh, W_vis, ln_g, ln_b,
           prototype_bank):
    cnt16 = _sc_segment_count(labels.reshape(_N))

    out = pl.pallas_call(
        _main_kernel,
        grid=(_B,),
        in_specs=[
            pl.BlockSpec((1, _C, _H * _W), lambda i: (i, 0, 0)),
            pl.BlockSpec((1, _NB, 4), lambda i: (i, 0, 0)),
            pl.BlockSpec((1, 1, 4), lambda i: (i, 0, 0)),
            pl.BlockSpec((_C, _D), lambda i: (0, 0)),
            pl.BlockSpec((1, _D), lambda i: (0, 0)),
            pl.BlockSpec((1, _D), lambda i: (0, 0)),
            pl.BlockSpec((_N, 1), lambda i: (0, 0)),
            pl.BlockSpec((_K, 1), lambda i: (0, 0)),
            pl.BlockSpec((_K, _D), lambda i: (0, 0)),
            pl.BlockSpec((_K, _D), lambda i: (0, 0)),
        ],
        out_specs=pl.BlockSpec((_B, _K, _D), lambda i: (0, 0, 0)),
        out_shape=jax.ShapeDtypeStruct((_B, _K, _D), jnp.float32),
        scratch_shapes=[pltpu.VMEM((_N + _B, _C), jnp.float32)],
    )(feature_map.reshape(_B, _C, _H * _W), boxes, whwh.reshape(_B, 1, 4),
      W_vis, ln_g.reshape(1, _D), ln_b.reshape(1, _D),
      labels.reshape(_N, 1), cnt16[:, 0:1], prototype_bank, text_features)
    return out

# --- scband reference (transcript-rebuilt; emitter-appended) ---
"""Pipeline reference for scband-aero-lite-detector-10934986735651 (READ-ONLY COPY).

The authoritative reference and input builder live on the scoring server;
editing this copy changes nothing except your own understanding.
"""

import jax, jax.numpy as jnp
import numpy as np

FEATURE_DIM = 256
TEXT_DIM = 512
NUM_CLASSES = 1000
MOMENTUM = 0.9
BLEND = 0.35
CONTEXT_BLEND = 0.25


def _normalize(x, axis=-1, eps=1e-6):
    n = jnp.linalg.norm(x, axis=axis, keepdims=True)
    return x / jnp.maximum(n, eps)


def _layernorm(x, g, b, eps=1e-5):
    mu = x.mean(-1, keepdims=True)
    var = x.var(-1, keepdims=True)
    return (x - mu) / jnp.sqrt(var + eps) * g + b


def _project(x, W_vis, g, b):
    return _normalize(_layernorm(x @ W_vis, g, b))


def _pool_boxes(feature_map, boxes, whwh):
    Bc, C, Hh, Ww = feature_map.shape
    rows = jnp.arange(Hh)
    cols = jnp.arange(Ww)

    def per_img(feat, bx, sz):
        img_w = jnp.maximum(sz[0], 1.0)
        img_h = jnp.maximum(sz[1], 1.0)
        scaled = bx * sz[None, :]  # boxes are normalized (<=1.5) -> scale by whwh

        def per_box(box):
            x1 = jnp.clip(jnp.floor(box[0] / img_w * Ww), 0, Ww - 1).astype(jnp.int32)
            y1 = jnp.clip(jnp.floor(box[1] / img_h * Hh), 0, Hh - 1).astype(jnp.int32)
            x2 = jnp.maximum(x1 + 1, jnp.minimum(Ww, jnp.ceil(box[2] / img_w * Ww).astype(jnp.int32)))
            y2 = jnp.maximum(y1 + 1, jnp.minimum(Hh, jnp.ceil(box[3] / img_h * Hh).astype(jnp.int32)))
            m = ((rows[:, None] >= y1) & (rows[:, None] < y2) & (cols[None, :] >= x1) & (cols[None, :] < x2)).astype(feat.dtype)
            return (feat * m[None]).sum(axis=(1, 2)) / jnp.maximum(m.sum(), 1.0)

        return jax.vmap(per_box)(scaled)

    return jax.vmap(per_img)(feature_map, boxes, whwh)


def _forward(feature_map, text_features, boxes, labels, whwh, W_vis, ln_g, ln_b, prototype_bank):
    Bc, C, Hh, Ww = feature_map.shape
    # --- _pool_box_features + _project_visual (detached) ---
    pooled = _pool_boxes(feature_map, boxes, whwh).reshape(-1, C)
    flat_labels = labels.reshape(-1)
    vis = _project(jax.lax.stop_gradient(pooled), W_vis, ln_g, ln_b)
    vis = jax.lax.stop_gradient(vis)
    # --- _update_memory: per-class mean + EMA scatter into prototype bank (no_grad) ---
    sums = jax.ops.segment_sum(vis, flat_labels, num_segments=NUM_CLASSES)
    cnts = jax.ops.segment_sum(jnp.ones(flat_labels.shape, jnp.float32), flat_labels, num_segments=NUM_CLASSES)
    present = cnts > 0
    cls_mean = sums / jnp.maximum(cnts, 1.0)[:, None]
    # prototype_initialized starts all-False, so first write is the class mean
    updated = _normalize(cls_mean)
    bank_new = jax.lax.stop_gradient(jnp.where(present[:, None], updated, prototype_bank))
    initialized_new = present
    # --- _build_similarity_context ---
    g_pool = feature_map.reshape(Bc, C, -1).mean(-1)
    proj = _project(g_pool, W_vis, ln_g, ln_b)
    logits = proj @ bank_new.T
    wts = jax.nn.softmax(logits, axis=-1)
    sim_ctx = wts @ bank_new
    # --- _build_label_context ---
    default = bank_new.mean(0)

    def per_lbl(ids):
        valid = initialized_new[ids].astype(jnp.float32)
        vecs = bank_new[ids]
        c = valid.sum()
        mean = (vecs * valid[:, None]).sum(0) / jnp.maximum(c, 1.0)
        return jnp.where(c > 0, mean, default)

    label_ctx = jax.vmap(per_lbl)(labels)
    # --- fuse contexts into text prompts ---
    ctx = (1.0 - CONTEXT_BLEND) * label_ctx + CONTEXT_BLEND * sim_ctx
    fused = (1.0 - BLEND) * text_features[None] + BLEND * ctx[:, None, :]
    return _normalize(fused)


def setup_inputs(seed: int = 0):
    key = jax.random.key(seed)
    ks = jax.random.split(key, 6)
    return {
        "feature_map": jax.random.normal(ks[0], (8, FEATURE_DIM, 64, 64), jnp.float32),
        "text_features": jax.random.normal(ks[1], (NUM_CLASSES, TEXT_DIM), jnp.float32),
        "boxes": jax.random.uniform(ks[2], (8, 16, 4), dtype=jnp.float32),
        "labels": jax.random.randint(ks[3], (8, 16), 0, NUM_CLASSES),
        "whwh": jnp.ones((8, 4), jnp.float32),
        "W_vis": jax.random.normal(ks[4], (FEATURE_DIM, TEXT_DIM), jnp.float32) * 0.02,
        "ln_g": jnp.ones((TEXT_DIM,), jnp.float32),
        "ln_b": jnp.zeros((TEXT_DIM,), jnp.float32),
        "prototype_bank": jnp.zeros((NUM_CLASSES, TEXT_DIM), jnp.float32),
    }


def reference(feature_map, text_features, boxes, labels, whwh, W_vis, ln_g, ln_b, prototype_bank):
    return _forward(feature_map, text_features, boxes, labels, whwh, W_vis, ln_g, ln_b, prototype_bank)

if __name__ == "__main__":
    import jax
    _d = setup_inputs()
    print(jax.jit(kernel)(*tuple(_d.values())))

</pallas_src>

<mosaic_0001>
#map = affine_map<(d0, d1) -> (0)>
#map1 = affine_map<(d0, d1) -> (0, 0)>
module attributes {stable_mosaic.version = 14 : i64} {
  func.func @_sc_count_scatter(%arg0: i32, %arg1: i32, %arg2: memref<128xi32, #tpu.memory_space<hbm>>, %arg3: memref<1000x16xf32, #tpu.memory_space<hbm>>, %arg4: memref<128xi32, #tpu.memory_space<vmem>>, %arg5: memref<64x16xf32, #tpu.memory_space<vmem>>) attributes {dimension_semantics = [#tpu.dimension_semantics<core_parallel>, #tpu.dimension_semantics<subcore_parallel>], iteration_bounds = array<i64: 1, 16>, scalar_prefetch = 0 : i64, scratch_operands = 2 : i64, tpu.core_type = #tpu.core_type<sc_vector_subcore>, window_params = [{transform_indices = #map}, {transform_indices = #map1}]} {
    %mul3A = arith.constant 64 : i32
    %mul3A_0 = arith.muli %arg1, %mul3A : i32
    %min3A = arith.constant 936 : i32
    %min3A_1 = arith.minsi %mul3A_0, %min3A : i32
    "tpu.region"() ({
      %run_scoped3A = tpu.sem_alloc : memref<!tpu.dma_semaphore, #tpu.memory_space<semaphore_mem>>
      tpu.enqueue_dma source(%arg2 : memref<128xi32, #tpu.memory_space<hbm>>) target(%arg4 : memref<128xi32, #tpu.memory_space<vmem>>) target_semaphore(%run_scoped3A : memref<!tpu.dma_semaphore, #tpu.memory_space<semaphore_mem>>)
      tpu.wait_dma2 semaphore(%run_scoped3A : memref<!tpu.dma_semaphore, #tpu.memory_space<semaphore_mem>>) src(%arg2 : memref<128xi32, #tpu.memory_space<hbm>>) dst(%arg4 : memref<128xi32, #tpu.memory_space<vmem>>)
      tpu.yield
    }) : () -> ()
    %broadcast_in_dim3A = arith.constant 0.000000e+00 : f32
    %broadcast_in_dim3A_2 = vector.broadcast %broadcast_in_dim3A : f32 to vector<16xf32>
    %broadcast_in_dim3A_3 = arith.constant 1.000000e+00 : f32
    %broadcast_in_dim3A_4 = vector.broadcast %broadcast_in_dim3A_3 : f32 to vector<16xf32>
    %scan3A = arith.constant 0 : i32
    %scan3A_5 = arith.constant 0 : i32
    %scan3A_6 = arith.constant 64 : i32
    %scan3A_7 = arith.addi %scan3A_5, %scan3A_6 : i32
    %scan3A_8 = arith.constant 1 : i32
    scf.for %scan3A_16 = %scan3A_5 to %scan3A_7 step %scan3A_8  : i32 {
      %swap3A = arith.index_cast %scan3A_16 : i32 to index
      %swap3A_17 = arith.constant 0 : index
      %swap3A_18 = tpu.vector_load %arg5[%swap3A, %swap3A_17] {strides = array<i32>} : memref<64x16xf32, #tpu.memory_space<vmem>>, vector<1x16xf32>,
      %swap3A_19 = vector.shape_cast %swap3A_18 : vector<1x16xf32> to vector<16xf32>
      %swap3A_20 = vector.shape_cast %broadcast_in_dim3A_2 : vector<16xf32> to vector<1x16xf32>
      tpu.vector_store %arg5[%swap3A, %swap3A_17], %swap3A_20 {strides = array<i32>} : memref<64x16xf32, #tpu.memory_space<vmem>>, vector<1x16xf32>,
    }
    %scan3A_9 = arith.constant 64 : i32
    %scan3A_10 = arith.constant 0 : i32
    %scan3A_11 = arith.constant 0 : i32
    %scan3A_12 = arith.constant 8 : i32
    %scan3A_13 = arith.addi %scan3A_11, %scan3A_12 : i32
    %scan3A_14 = arith.constant 1 : i32
    scf.for %scan3A_16 = %scan3A_11 to %scan3A_13 step %scan3A_14  : i32 {
      %mul3A_17 = arith.constant 16 : i32
      %mul3A_18 = arith.muli %scan3A_16, %mul3A_17 : i32
      %get3A = arith.index_cast %mul3A_18 : i32 to index
      %get3A_19 = tpu.vector_load %arg4[%get3A] {strides = array<i32>} : memref<128xi32, #tpu.memory_space<vmem>>, vector<16xi32>,
      %get3A_20 = vector.shape_cast %get3A_19 : vector<16xi32> to vector<16xi32>
      %slice3A = vector.extract_strided_slice %get3A_20 {offsets = [0], sizes = [1], strides = [1]} : vector<16xi32> to vector<1xi32>
      %squeeze3A = vector.extract %slice3A[0] : i32 from vector<1xi32>
      %sub3A = arith.subi %squeeze3A, %min3A_1 : i32
      %ge3A = arith.constant 0 : i32
      %ge3A_21 = arith.cmpi sge, %sub3A, %ge3A : i32
      %lt3A = arith.constant 64 : i32
      %lt3A_22 = arith.cmpi slt, %sub3A, %lt3A : i32
      %and3A = arith.andi %ge3A_21, %lt3A_22 : i1
      %convert_element_type3A = arith.extui %and3A : i1 to i32
      %cond3A = arith.constant 0 : i32
      %cond3A_23 = arith.cmpi ne, %convert_element_type3A, %cond3A : i32
      scf.if %cond3A_23 {
        %get3A_189 = arith.index_cast %sub3A : i32 to index
        %get3A_190 = arith.constant 0 : index
        %get3A_191 = tpu.vector_load %arg5[%get3A_189, %get3A_190] {strides = array<i32>} : memref<64x16xf32, #tpu.memory_space<vmem>>, vector<1x16xf32>,
        %get3A_192 = vector.shape_cast %get3A_191 : vector<1x16xf32> to vector<16xf32>
        %add3A = arith.addf %get3A_192, %broadcast_in_dim3A_4 : vector<16xf32>
        %swap3A = arith.index_cast %sub3A : i32 to index
        %swap3A_193 = arith.constant 0 : index
        %swap3A_194 = tpu.vector_load %arg5[%swap3A, %swap3A_193] {strides = array<i32>} : memref<64x16xf32, #tpu.memory_space<vmem>>, vector<1x16xf32>,
        %swap3A_195 = vector.shape_cast %swap3A_194 : vector<1x16xf32> to vector<16xf32>
        %swap3A_196 = vector.shape_cast %add3A : vector<16xf32> to vector<1x16xf32>
        tpu.vector_store %arg5[%swap3A, %swap3A_193], %swap3A_196 {strides = array<i32>} : memref<64x16xf32, #tpu.memory_space<vmem>>, vector<1x16xf32>,
      } else {
      }
      %slice3A_24 = vector.extract_strided_slice %get3A_20 {offsets = [1], sizes = [1], strides = [1]} : vector<16xi32> to vector<1xi32>
      %squeeze3A_25 = vector.extract %slice3A_24[0] : i32 from vector<1xi32>
      %sub3A_26 = arith.subi %squeeze3A_25, %min3A_1 : i32
      %ge3A_27 = arith.constant 0 : i32
      %ge3A_28 = arith.cmpi sge, %sub3A_26, %ge3A_27 : i32
      %lt3A_29 = arith.constant 64 : i32
      %lt3A_30 = arith.cmpi slt, %sub3A_26, %lt3A_29 : i32
      %and3A_31 = arith.andi %ge3A_28, %lt3A_30 : i1
      %convert_element_type3A_32 = arith.extui %and3A_31 : i1 to i32
      %cond3A_33 = arith.constant 0 : i32
      %cond3A_34 = arith.cmpi ne, %convert_element_type3A_32, %cond3A_33 : i32
      scf.if %cond3A_34 {
        %get3A_189 = arith.index_cast %sub3A_26 : i32 to index
        %get3A_190 = arith.constant 0 : index
        %get3A_191 = tpu.vector_load %arg5[%get3A_189, %get3A_190] {strides = array<i32>} : memref<64x16xf32, #tpu.memory_space<vmem>>, vector<1x16xf32>,
        %get3A_192 = vector.shape_cast %get3A_191 : vector<1x16xf32> to vector<16xf32>
        %add3A = arith.addf %get3A_192, %broadcast_in_dim3A_4 : vector<16xf32>
        %swap3A = arith.index_cast %sub3A_26 : i32 to index
        %swap3A_193 = arith.constant 0 : index
        %swap3A_194 = tpu.vector_load %arg5[%swap3A, %swap3A_193] {strides = array<i32>} : memref<64x16xf32, #tpu.memory_space<vmem>>, vector<1x16xf32>,
        %swap3A_195 = vector.shape_cast %swap3A_194 : vector<1x16xf32> to vector<16xf32>
        %swap3A_196 = vector.shape_cast %add3A : vector<16xf32> to vector<1x16xf32>
        tpu.vector_store %arg5[%swap3A, %swap3A_193], %swap3A_196 {strides = array<i32>} : memref<64x16xf32, #tpu.memory_space<vmem>>, vector<1x16xf32>,
      } else {
      }
      %slice3A_35 = vector.extract_strided_slice %get3A_20 {offsets = [2], sizes = [1], strides = [1]} : vector<16xi32> to vector<1xi32>
      %squeeze3A_36 = vector.extract %slice3A_35[0] : i32 from vector<1xi32>
      %sub3A_37 = arith.subi %squeeze3A_36, %min3A_1 : i32
      %ge3A_38 = arith.constant 0 : i32
      %ge3A_39 = arith.cmpi sge, %sub3A_37, %ge3A_38 : i32
      %lt3A_40 = arith.constant 64 : i32
      %lt3A_41 = arith.cmpi slt, %sub3A_37, %lt3A_40 : i32
      %and3A_42 = arith.andi %ge3A_39, %lt3A_41 : i1
      %convert_element_type3A_43 = arith.extui %and3A_42 : i1 to i32
      %cond3A_44 = arith.constant 0 : i32
      %cond3A_45 = arith.cmpi ne, %convert_element_type3A_43, %cond3A_44 : i32
      scf.if %cond3A_45 {
        %get3A_189 = arith.index_cast %sub3A_37 : i32 to index
        %get3A_190 = arith.constant 0 : index
        %get3A_191 = tpu.vector_load %arg5[%get3A_189, %get3A_190] {strides = array<i32>} : memref<64x16xf32, #tpu.memory_space<vmem>>, vector<1x16xf32>,
        %get3A_192 = vector.shape_cast %get3A_191 : vector<1x16xf32> to vector<16xf32>
        %add3A = arith.addf %get3A_192, %broadcast_in_dim3A_4 : vector<16xf32>
        %swap3A = arith.index_cast %sub3A_37 : i32 to index
        %swap3A_193 = arith.constant 0 : index
        %swap3A_194 = tpu.vector_load %arg5[%swap3A, %swap3A_193] {strides = array<i32>} : memref<64x16xf32, #tpu.memory_space<vmem>>, vector<1x16xf32>,
        %swap3A_195 = vector.shape_cast %swap3A_194 : vector<1x16xf32> to vector<16xf32>
        %swap3A_196 = vector.shape_cast %add3A : vector<16xf32> to vector<1x16xf32>
        tpu.vector_store %arg5[%swap3A, %swap3A_193], %swap3A_196 {strides = array<i32>} : memref<64x16xf32, #tpu.memory_space<vmem>>, vector<1x16xf32>,
      } else {
      }
      %slice3A_46 = vector.extract_strided_slice %get3A_20 {offsets = [3], sizes = [1], strides = [1]} : vector<16xi32> to vector<1xi32>
      %squeeze3A_47 = vector.extract %slice3A_46[0] : i32 from vector<1xi32>
      %sub3A_48 = arith.subi %squeeze3A_47, %min3A_1 : i32
      %ge3A_49 = arith.constant 0 : i32
      %ge3A_50 = arith.cmpi sge, %sub3A_48, %ge3A_49 : i32
      %lt3A_51 = arith.constant 64 : i32
      %lt3A_52 = arith.cmpi slt, %sub3A_48, %lt3A_51 : i32
      %and3A_53 = arith.andi %ge3A_50, %lt3A_52 : i1
      %convert_element_type3A_54 = arith.extui %and3A_53 : i1 to i32
      %cond3A_55 = arith.constant 0 : i32
      %cond3A_56 = arith.cmpi ne, %convert_element_type3A_54, %cond3A_55 : i32
      scf.if %cond3A_56 {
        %get3A_189 = arith.index_cast %sub3A_48 : i32 to index
        %get3A_190 = arith.constant 0 : index
        %get3A_191 = tpu.vector_load %arg5[%get3A_189, %get3A_190] {strides = array<i32>} : memref<64x16xf32, #tpu.memory_space<vmem>>, vector<1x16xf32>,
        %get3A_192 = vector.shape_cast %get3A_191 : vector<1x16xf32> to vector<16xf32>
        %add3A = arith.addf %get3A_192, %broadcast_in_dim3A_4 : vector<16xf32>
        %swap3A = arith.index_cast %sub3A_48 : i32 to index
        %swap3A_193 = arith.constant 0 : index
        %swap3A_194 = tpu.vector_load %arg5[%swap3A, %swap3A_193] {strides = array<i32>} : memref<64x16xf32, #tpu.memory_space<vmem>>, vector<1x16xf32>,
        %swap3A_195 = vector.shape_cast %swap3A_194 : vector<1x16xf32> to vector<16xf32>
        %swap3A_196 = vector.shape_cast %add3A : vector<16xf32> to vector<1x16xf32>
        tpu.vector_store %arg5[%swap3A, %swap3A_193], %swap3A_196 {strides = array<i32>} : memref<64x16xf32, #tpu.memory_space<vmem>>, vector<1x16xf32>,
      } else {
      }
      %slice3A_57 = vector.extract_strided_slice %get3A_20 {offsets = [4], sizes = [1], strides = [1]} : vector<16xi32> to vector<1xi32>
      %squeeze3A_58 = vector.extract %slice3A_57[0] : i32 from vector<1xi32>
      %sub3A_59 = arith.subi %squeeze3A_58, %min3A_1 : i32
      %ge3A_60 = arith.constant 0 : i32
      %ge3A_61 = arith.cmpi sge, %sub3A_59, %ge3A_60 : i32
      %lt3A_62 = arith.constant 64 : i32
      %lt3A_63 = arith.cmpi slt, %sub3A_59, %lt3A_62 : i32
      %and3A_64 = arith.andi %ge3A_61, %lt3A_63 : i1
      %convert_element_type3A_65 = arith.extui %and3A_64 : i1 to i32
      %cond3A_66 = arith.constant 0 : i32
      %cond3A_67 = arith.cmpi ne, %convert_element_type3A_65, %cond3A_66 : i32
      scf.if %cond3A_67 {
        %get3A_189 = arith.index_cast %sub3A_59 : i32 to index
        %get3A_190 = arith.constant 0 : index
        %get3A_191 = tpu.vector_load %arg5[%get3A_189, %get3A_190] {strides = array<i32>} : memref<64x16xf32, #tpu.memory_space<vmem>>, vector<1x16xf32>,
        %get3A_192 = vector.shape_cast %get3A_191 : vector<1x16xf32> to vector<16xf32>
        %add3A = arith.addf %get3A_192, %broadcast_in_dim3A_4 : vector<16xf32>
        %swap3A = arith.index_cast %sub3A_59 : i32 to index
        %swap3A_193 = arith.constant 0 : index
        %swap3A_194 = tpu.vector_load %arg5[%swap3A, %swap3A_193] {strides = array<i32>} : memref<64x16xf32, #tpu.memory_space<vmem>>, vector<1x16xf32>,
        %swap3A_195 = vector.shape_cast %swap3A_194 : vector<1x16xf32> to vector<16xf32>
        %swap3A_196 = vector.shape_cast %add3A : vector<16xf32> to vector<1x16xf32>
        tpu.vector_store %arg5[%swap3A, %swap3A_193], %swap3A_196 {strides = array<i32>} : memref<64x16xf32, #tpu.memory_space<vmem>>, vector<1x16xf32>,
      } else {
      }
      %slice3A_68 = vector.extract_strided_slice %get3A_20 {offsets = [5], sizes = [1], strides = [1]} : vector<16xi32> to vector<1xi32>
      %squeeze3A_69 = vector.extract %slice3A_68[0] : i32 from vector<1xi32>
      %sub3A_70 = arith.subi %squeeze3A_69, %min3A_1 : i32
      %ge3A_71 = arith.constant 0 : i32
      %ge3A_72 = arith.cmpi sge, %sub3A_70, %ge3A_71 : i32
      %lt3A_73 = arith.constant 64 : i32
      %lt3A_74 = arith.cmpi slt, %sub3A_70, %lt3A_73 : i32
      %and3A_75 = arith.andi %ge3A_72, %lt3A_74 : i1
      %convert_element_type3A_76 = arith.extui %and3A_75 : i1 to i32
      %cond3A_77 = arith.constant 0 : i32
      %cond3A_78 = arith.cmpi ne, %convert_element_type3A_76, %cond3A_77 : i32
      scf.if %cond3A_78 {
        %get3A_189 = arith.index_cast %sub3A_70 : i32 to index
        %get3A_190 = arith.constant 0 : index
        %get3A_191 = tpu.vector_load %arg5[%get3A_189, %get3A_190] {strides = array<i32>} : memref<64x16xf32, #tpu.memory_space<vmem>>, vector<1x16xf32>,
        %get3A_192 = vector.shape_cast %get3A_191 : vector<1x16xf32> to vector<16xf32>
        %add3A = arith.addf %get3A_192, %broadcast_in_dim3A_4 : vector<16xf32>
        %swap3A = arith.index_cast %sub3A_70 : i32 to index
        %swap3A_193 = arith.constant 0 : index
        %swap3A_194 = tpu.vector_load %arg5[%swap3A, %swap3A_193] {strides = array<i32>} : memref<64x16xf32, #tpu.memory_space<vmem>>, vector<1x16xf32>,
        %swap3A_195 = vector.shape_cast %swap3A_194 : vector<1x16xf32> to vector<16xf32>
        %swap3A_196 = vector.shape_cast %add3A : vector<16xf32> to vector<1x16xf32>
        tpu.vector_store %arg5[%swap3A, %swap3A_193], %swap3A_196 {strides = array<i32>} : memref<64x16xf32, #tpu.memory_space<vmem>>, vector<1x16xf32>,
      } else {
      }
      %slice3A_79 = vector.extract_strided_slice %get3A_20 {offsets = [6], sizes = [1], strides = [1]} : vector<16xi32> to vector<1xi32>
      %squeeze3A_80 = vector.extract %slice3A_79[0] : i32 from vector<1xi32>
      %sub3A_81 = arith.subi %squeeze3A_80, %min3A_1 : i32
      %ge3A_82 = arith.constant 0 : i32
      %ge3A_83 = arith.cmpi sge, %sub3A_81, %ge3A_82 : i32
      %lt3A_84 = arith.constant 64 : i32
      %lt3A_85 = arith.cmpi slt, %sub3A_81, %lt3A_84 : i32
      %and3A_86 = arith.andi %ge3A_83, %lt3A_85 : i1
      %convert_element_type3A_87 = arith.extui %and3A_86 : i1 to i32
      %cond3A_88 = arith.constant 0 : i32
      %cond3A_89 = arith.cmpi ne, %convert_element_type3A_87, %cond3A_88 : i32
      scf.if %cond3A_89 {
        %get3A_189 = arith.index_cast %sub3A_81 : i32 to index
        %get3A_190 = arith.constant 0 : index
        %get3A_191 = tpu.vector_load %arg5[%get3A_189, %get3A_190] {strides = array<i32>} : memref<64x16xf32, #tpu.memory_space<vmem>>, vector<1x16xf32>,
        %get3A_192 = vector.shape_cast %get3A_191 : vector<1x16xf32> to vector<16xf32>
        %add3A = arith.addf %get3A_192, %broadcast_in_dim3A_4 : vector<16xf32>
        %swap3A = arith.index_cast %sub3A_81 : i32 to index
        %swap3A_193 = arith.constant 0 : index
        %swap3A_194 = tpu.vector_load %arg5[%swap3A, %swap3A_193] {strides = array<i32>} : memref<64x16xf32, #tpu.memory_space<vmem>>, vector<1x16xf32>,
        %swap3A_195 = vector.shape_cast %swap3A_194 : vector<1x16xf32> to vector<16xf32>
        %swap3A_196 = vector.shape_cast %add3A : vector<16xf32> to vector<1x16xf32>
        tpu.vector_store %arg5[%swap3A, %swap3A_193], %swap3A_196 {strides = array<i32>} : memref<64x16xf32, #tpu.memory_space<vmem>>, vector<1x16xf32>,
      } else {
      }
      %slice3A_90 = vector.extract_strided_slice %get3A_20 {offsets = [7], sizes = [1], strides = [1]} : vector<16xi32> to vector<1xi32>
      %squeeze3A_91 = vector.extract %slice3A_90[0] : i32 from vector<1xi32>
      %sub3A_92 = arith.subi %squeeze3A_91, %min3A_1 : i32
      %ge3A_93 = arith.constant 0 : i32
      %ge3A_94 = arith.cmpi sge, %sub3A_92, %ge3A_93 : i32
      %lt3A_95 = arith.constant 64 : i32
      %lt3A_96 = arith.cmpi slt, %sub3A_92, %lt3A_95 : i32
      %and3A_97 = arith.andi %ge3A_94, %lt3A_96 : i1
      %convert_element_type3A_98 = arith.extui %and3A_97 : i1 to i32
      %cond3A_99 = arith.constant 0 : i32
      %cond3A_100 = arith.cmpi ne, %convert_element_type3A_98, %cond3A_99 : i32
      scf.if %cond3A_100 {
        %get3A_189 = arith.index_cast %sub3A_92 : i32 to index
        %get3A_190 = arith.constant 0 : index
        %get3A_191 = tpu.vector_load %arg5[%get3A_189, %get3A_190] {strides = array<i32>} : memref<64x16xf32, #tpu.memory_space<vmem>>, vector<1x16xf32>,
        %get3A_192 = vector.shape_cast %get3A_191 : vector<1x16xf32> to vector<16xf32>
        %add3A = arith.addf %get3A_192, %broadcast_in_dim3A_4 : vector<16xf32>
        %swap3A = arith.index_cast %sub3A_92 : i32 to index
        %swap3A_193 = arith.constant 0 : index
        %swap3A_194 = tpu.vector_load %arg5[%swap3A, %swap3A_193] {strides = array<i32>} : memref<64x16xf32, #tpu.memory_space<vmem>>, vector<1x16xf32>,
        %swap3A_195 = vector.shape_cast %swap3A_194 : vector<1x16xf32> to vector<16xf32>
        %swap3A_196 = vector.shape_cast %add3A : vector<16xf32> to vector<1x16xf32>
        tpu.vector_store %arg5[%swap3A, %swap3A_193], %swap3A_196 {strides = array<i32>} : memref<64x16xf32, #tpu.memory_space<vmem>>, vector<1x16xf32>,
      } else {
      }
      %slice3A_101 = vector.extract_strided_slice %get3A_20 {offsets = [8], sizes = [1], strides = [1]} : vector<16xi32> to vector<1xi32>
      %squeeze3A_102 = vector.extract %slice3A_101[0] : i32 from vector<1xi32>
      %sub3A_103 = arith.subi %squeeze3A_102, %min3A_1 : i32
      %ge3A_104 = arith.constant 0 : i32
      %ge3A_105 = arith.cmpi sge, %sub3A_103, %ge3A_104 : i32
      %lt3A_106 = arith.constant 64 : i32
      %lt3A_107 = arith.cmpi slt, %sub3A_103, %lt3A_106 : i32
      %and3A_108 = arith.andi %ge3A_105, %lt3A_107 : i1
      %convert_element_type3A_109 = arith.extui %and3A_108 : i1 to i32
      %cond3A_110 = arith.constant 0 : i32
      %cond3A_111 = arith.cmpi ne, %convert_element_type3A_109, %cond3A_110 : i32
      scf.if %cond3A_111 {
        %get3A_189 = arith.index_cast %sub3A_103 : i32 to index
        %get3A_190 = arith.constant 0 : index
        %get3A_191 = tpu.vector_load %arg5[%get3A_189, %get3A_190] {strides = array<i32>} : memref<64x16xf32, #tpu.memory_space<vmem>>, vector<1x16xf32>,
        %get3A_192 = vector.shape_cast %get3A_191 : vector<1x16xf32> to vector<16xf32>
        %add3A = arith.addf %get3A_192, %broadcast_in_dim3A_4 : vector<16xf32>
        %swap3A = arith.index_cast %sub3A_103 : i32 to index
        %swap3A_193 = arith.constant 0 : index
        %swap3A_194 = tpu.vector_load %arg5[%swap3A, %swap3A_193] {strides = array<i32>} : memref<64x16xf32, #tpu.memory_space<vmem>>, vector<1x16xf32>,
        %swap3A_195 = vector.shape_cast %swap3A_194 : vector<1x16xf32> to vector<16xf32>
        %swap3A_196 = vector.shape_cast %add3A : vector<16xf32> to vector<1x16xf32>
        tpu.vector_store %arg5[%swap3A, %swap3A_193], %swap3A_196 {strides = array<i32>} : memref<64x16xf32, #tpu.memory_space<vmem>>, vector<1x16xf32>,
      } else {
      }
      %slice3A_112 = vector.extract_strided_slice %get3A_20 {offsets = [9], sizes = [1], strides = [1]} : vector<16xi32> to vector<1xi32>
      %squeeze3A_113 = vector.extract %slice3A_112[0] : i32 from vector<1xi32>
      %sub3A_114 = arith.subi %squeeze3A_113, %min3A_1 : i32
      %ge3A_115 = arith.constant 0 : i32
      %ge3A_116 = arith.cmpi sge, %sub3A_114, %ge3A_115 : i32
      %lt3A_117 = arith.constant 64 : i32
      %lt3A_118 = arith.cmpi slt, %sub3A_114, %lt3A_117 : i32
      %and3A_119 = arith.andi %ge3A_116, %lt3A_118 : i1
      %convert_element_type3A_120 = arith.extui %and3A_119 : i1 to i32
      %cond3A_121 = arith.constant 0 : i32
      %cond3A_122 = arith.cmpi ne, %convert_element_type3A_120, %cond3A_121 : i32
      scf.if %cond3A_122 {
        %get3A_189 = arith.index_cast %sub3A_114 : i32 to index
        %get3A_190 = arith.constant 0 : index
        %get3A_191 = tpu.vector_load %arg5[%get3A_189, %get3A_190] {strides = array<i32>} : memref<64x16xf32, #tpu.memory_space<vmem>>, vector<1x16xf32>,
        %get3A_192 = vector.shape_cast %get3A_191 : vector<1x16xf32> to vector<16xf32>
        %add3A = arith.addf %get3A_192, %broadcast_in_dim3A_4 : vector<16xf32>
        %swap3A = arith.index_cast %sub3A_114 : i32 to index
        %swap3A_193 = arith.constant 0 : index
        %swap3A_194 = tpu.vector_load %arg5[%swap3A, %swap3A_193] {strides = array<i32>} : memref<64x16xf32, #tpu.memory_space<vmem>>, vector<1x16xf32>,
        %swap3A_195 = vector.shape_cast %swap3A_194 : vector<1x16xf32> to vector<16xf32>
        %swap3A_196 = vector.shape_cast %add3A : vector<16xf32> to vector<1x16xf32>
        tpu.vector_store %arg5[%swap3A, %swap3A_193], %swap3A_196 {strides = array<i32>} : memref<64x16xf32, #tpu.memory_space<vmem>>, vector<1x16xf32>,
      } else {
      }
      %slice3A_123 = vector.extract_strided_slice %get3A_20 {offsets = [10], sizes = [1], strides = [1]} : vector<16xi32> to vector<1xi32>
      %squeeze3A_124 = vector.extract %slice3A_123[0] : i32 from vector<1xi32>
      %sub3A_125 = arith.subi %squeeze3A_124, %min3A_1 : i32
      %ge3A_126 = arith.constant 0 : i32
      %ge3A_127 = arith.cmpi sge, %sub3A_125, %ge3A_126 : i32
      %lt3A_128 = arith.constant 64 : i32
      %lt3A_129 = arith.cmpi slt, %sub3A_125, %lt3A_128 : i32
      %and3A_130 = arith.andi %ge3A_127, %lt3A_129 : i1
      %convert_element_type3A_131 = arith.extui %and3A_130 : i1 to i32
      %cond3A_132 = arith.constant 0 : i32
      %cond3A_133 = arith.cmpi ne, %convert_element_type3A_131, %cond3A_132 : i32
      scf.if %cond3A_133 {
        %get3A_189 = arith.index_cast %sub3A_125 : i32 to index
        %get3A_190 = arith.constant 0 : index
        %get3A_191 = tpu.vector_load %arg5[%get3A_189, %get3A_190] {strides = array<i32>} : memref<64x16xf32, #tpu.memory_space<vmem>>, vector<1x16xf32>,
        %get3A_192 = vector.shape_cast %get3A_191 : vector<1x16xf32> to vector<16xf32>
        %add3A = arith.addf %get3A_192, %broadcast_in_dim3A_4 : vector<16xf32>
        %swap3A = arith.index_cast %sub3A_125 : i32 to index
        %swap3A_193 = arith.constant 0 : index
        %swap3A_194 = tpu.vector_load %arg5[%swap3A, %swap3A_193] {strides = array<i32>} : memref<64x16xf32, #tpu.memory_space<vmem>>, vector<1x16xf32>,
        %swap3A_195 = vector.shape_cast %swap3A_194 : vector<1x16xf32> to vector<16xf32>
        %swap3A_196 = vector.shape_cast %add3A : vector<16xf32> to vector<1x16xf32>
        tpu.vector_store %arg5[%swap3A, %swap3A_193], %swap3A_196 {strides = array<i32>} : memref<64x16xf32, #tpu.memory_space<vmem>>, vector<1x16xf32>,
      } else {
      }
      %slice3A_134 = vector.extract_strided_slice %get3A_20 {offsets = [11], sizes = [1], strides = [1]} : vector<16xi32> to vector<1xi32>
      %squeeze3A_135 = vector.extract %slice3A_134[0] : i32 from vector<1xi32>
      %sub3A_136 = arith.subi %squeeze3A_135, %min3A_1 : i32
      %ge3A_137 = arith.constant 0 : i32
      %ge3A_138 = arith.cmpi sge, %sub3A_136, %ge3A_137 : i32
      %lt3A_139 = arith.constant 64 : i32
      %lt3A_140 = arith.cmpi slt, %sub3A_136, %lt3A_139 : i32
      %and3A_141 = arith.andi %ge3A_138, %lt3A_140 : i1
      %convert_element_type3A_142 = arith.extui %and3A_141 : i1 to i32
      %cond3A_143 = arith.constant 0 : i32
      %cond3A_144 = arith.cmpi ne, %convert_element_type3A_142, %cond3A_143 : i32
      scf.if %cond3A_144 {
        %get3A_189 = arith.index_cast %sub3A_136 : i32 to index
        %get3A_190 = arith.constant 0 : index
        %get3A_191 = tpu.vector_load %arg5[%get3A_189, %get3A_190] {strides = array<i32>} : memref<64x16xf32, #tpu.memory_space<vmem>>, vector<1x16xf32>,
        %get3A_192 = vector.shape_cast %get3A_191 : vector<1x16xf32> to vector<16xf32>
        %add3A = arith.addf %get3A_192, %broadcast_in_dim3A_4 : vector<16xf32>
        %swap3A = arith.index_cast %sub3A_136 : i32 to index
        %swap3A_193 = arith.constant 0 : index
        %swap3A_194 = tpu.vector_load %arg5[%swap3A, %swap3A_193] {strides = array<i32>} : memref<64x16xf32, #tpu.memory_space<vmem>>, vector<1x16xf32>,
        %swap3A_195 = vector.shape_cast %swap3A_194 : vector<1x16xf32> to vector<16xf32>
        %swap3A_196 = vector.shape_cast %add3A : vector<16xf32> to vector<1x16xf32>
        tpu.vector_store %arg5[%swap3A, %swap3A_193], %swap3A_196 {strides = array<i32>} : memref<64x16xf32, #tpu.memory_space<vmem>>, vector<1x16xf32>,
      } else {
      }
      %slice3A_145 = vector.extract_strided_slice %get3A_20 {offsets = [12], sizes = [1], strides = [1]} : vector<16xi32> to vector<1xi32>
      %squeeze3A_146 = vector.extract %slice3A_145[0] : i32 from vector<1xi32>
      %sub3A_147 = arith.subi %squeeze3A_146, %min3A_1 : i32
      %ge3A_148 = arith.constant 0 : i32
      %ge3A_149 = arith.cmpi sge, %sub3A_147, %ge3A_148 : i32
      %lt3A_150 = arith.constant 64 : i32
      %lt3A_151 = arith.cmpi slt, %sub3A_147, %lt3A_150 : i32
      %and3A_152 = arith.andi %ge3A_149, %lt3A_151 : i1
      %convert_element_type3A_153 = arith.extui %and3A_152 : i1 to i32
      %cond3A_154 = arith.constant 0 : i32
      %cond3A_155 = arith.cmpi ne, %convert_element_type3A_153, %cond3A_154 : i32
      scf.if %cond3A_155 {
        %get3A_189 = arith.index_cast %sub3A_147 : i32 to index
        %get3A_190 = arith.constant 0 : index
        %get3A_191 = tpu.vector_load %arg5[%get3A_189, %get3A_190] {strides = array<i32>} : memref<64x16xf32, #tpu.memory_space<vmem>>, vector<1x16xf32>,
        %get3A_192 = vector.shape_cast %get3A_191 : vector<1x16xf32> to vector<16xf32>
        %add3A = arith.addf %get3A_192, %broadcast_in_dim3A_4 : vector<16xf32>
        %swap3A = arith.index_cast %sub3A_147 : i32 to index
        %swap3A_193 = arith.constant 0 : index
        %swap3A_194 = tpu.vector_load %arg5[%swap3A, %swap3A_193] {strides = array<i32>} : memref<64x16xf32, #tpu.memory_space<vmem>>, vector<1x16xf32>,
        %swap3A_195 = vector.shape_cast %swap3A_194 : vector<1x16xf32> to vector<16xf32>
        %swap3A_196 = vector.shape_cast %add3A : vector<16xf32> to vector<1x16xf32>
        tpu.vector_store %arg5[%swap3A, %swap3A_193], %swap3A_196 {strides = array<i32>} : memref<64x16xf32, #tpu.memory_space<vmem>>, vector<1x16xf32>,
      } else {
      }
      %slice3A_156 = vector.extract_strided_slice %get3A_20 {offsets = [13], sizes = [1], strides = [1]} : vector<16xi32> to vector<1xi32>
      %squeeze3A_157 = vector.extract %slice3A_156[0] : i32 from vector<1xi32>
      %sub3A_158 = arith.subi %squeeze3A_157, %min3A_1 : i32
      %ge3A_159 = arith.constant 0 : i32
      %ge3A_160 = arith.cmpi sge, %sub3A_158, %ge3A_159 : i32
      %lt3A_161 = arith.constant 64 : i32
      %lt3A_162 = arith.cmpi slt, %sub3A_158, %lt3A_161 : i32
      %and3A_163 = arith.andi %ge3A_160, %lt3A_162 : i1
      %convert_element_type3A_164 = arith.extui %and3A_163 : i1 to i32
      %cond3A_165 = arith.constant 0 : i32
      %cond3A_166 = arith.cmpi ne, %convert_element_type3A_164, %cond3A_165 : i32
      scf.if %cond3A_166 {
        %get3A_189 = arith.index_cast %sub3A_158 : i32 to index
        %get3A_190 = arith.constant 0 : index
        %get3A_191 = tpu.vector_load %arg5[%get3A_189, %get3A_190] {strides = array<i32>} : memref<64x16xf32, #tpu.memory_space<vmem>>, vector<1x16xf32>,
        %get3A_192 = vector.shape_cast %get3A_191 : vector<1x16xf32> to vector<16xf32>
        %add3A = arith.addf %get3A_192, %broadcast_in_dim3A_4 : vector<16xf32>
        %swap3A = arith.index_cast %sub3A_158 : i32 to index
        %swap3A_193 = arith.constant 0 : index
        %swap3A_194 = tpu.vector_load %arg5[%swap3A, %swap3A_193] {strides = array<i32>} : memref<64x16xf32, #tpu.memory_space<vmem>>, vector<1x16xf32>,
        %swap3A_195 = vector.shape_cast %swap3A_194 : vector<1x16xf32> to vector<16xf32>
        %swap3A_196 = vector.shape_cast %add3A : vector<16xf32> to vector<1x16xf32>
        tpu.vector_store %arg5[%swap3A, %swap3A_193], %swap3A_196 {strides = array<i32>} : memref<64x16xf32, #tpu.memory_space<vmem>>, vector<1x16xf32>,
      } else {
      }
      %slice3A_167 = vector.extract_strided_slice %get3A_20 {offsets = [14], sizes = [1], strides = [1]} : vector<16xi32> to vector<1xi32>
      %squeeze3A_168 = vector.extract %slice3A_167[0] : i32 from vector<1xi32>
      %sub3A_169 = arith.subi %squeeze3A_168, %min3A_1 : i32
      %ge3A_170 = arith.constant 0 : i32
      %ge3A_171 = arith.cmpi sge, %sub3A_169, %ge3A_170 : i32
      %lt3A_172 = arith.constant 64 : i32
      %lt3A_173 = arith.cmpi slt, %sub3A_169, %lt3A_172 : i32
      %and3A_174 = arith.andi %ge3A_171, %lt3A_173 : i1
      %convert_element_type3A_175 = arith.extui %and3A_174 : i1 to i32
      %cond3A_176 = arith.constant 0 : i32
      %cond3A_177 = arith.cmpi ne, %convert_element_type3A_175, %cond3A_176 : i32
      scf.if %cond3A_177 {
        %get3A_189 = arith.index_cast %sub3A_169 : i32 to index
        %get3A_190 = arith.constant 0 : index
        %get3A_191 = tpu.vector_load %arg5[%get3A_189, %get3A_190] {strides = array<i32>} : memref<64x16xf32, #tpu.memory_space<vmem>>, vector<1x16xf32>,
        %get3A_192 = vector.shape_cast %get3A_191 : vector<1x16xf32> to vector<16xf32>
        %add3A = arith.addf %get3A_192, %broadcast_in_dim3A_4 : vector<16xf32>
        %swap3A = arith.index_cast %sub3A_169 : i32 to index
        %swap3A_193 = arith.constant 0 : index
        %swap3A_194 = tpu.vector_load %arg5[%swap3A, %swap3A_193] {strides = array<i32>} : memref<64x16xf32, #tpu.memory_space<vmem>>, vector<1x16xf32>,
        %swap3A_195 = vector.shape_cast %swap3A_194 : vector<1x16xf32> to vector<16xf32>
        %swap3A_196 = vector.shape_cast %add3A : vector<16xf32> to vector<1x16xf32>
        tpu.vector_store %arg5[%swap3A, %swap3A_193], %swap3A_196 {strides = array<i32>} : memref<64x16xf32, #tpu.memory_space<vmem>>, vector<1x16xf32>,
      } else {
      }
      %slice3A_178 = vector.extract_strided_slice %get3A_20 {offsets = [15], sizes = [1], strides = [1]} : vector<16xi32> to vector<1xi32>
      %squeeze3A_179 = vector.extract %slice3A_178[0] : i32 from vector<1xi32>
      %sub3A_180 = arith.subi %squeeze3A_179, %min3A_1 : i32
      %ge3A_181 = arith.constant 0 : i32
      %ge3A_182 = arith.cmpi sge, %sub3A_180, %ge3A_181 : i32
      %lt3A_183 = arith.constant 64 : i32
      %lt3A_184 = arith.cmpi slt, %sub3A_180, %lt3A_183 : i32
      %and3A_185 = arith.andi %ge3A_182, %lt3A_184 : i1
      %convert_element_type3A_186 = arith.extui %and3A_185 : i1 to i32
      %cond3A_187 = arith.constant 0 : i32
      %cond3A_188 = arith.cmpi ne, %convert_element_type3A_186, %cond3A_187 : i32
      scf.if %cond3A_188 {
        %get3A_189 = arith.index_cast %sub3A_180 : i32 to index
        %get3A_190 = arith.constant 0 : index
        %get3A_191 = tpu.vector_load %arg5[%get3A_189, %get3A_190] {strides = array<i32>} : memref<64x16xf32, #tpu.memory_space<vmem>>, vector<1x16xf32>,
        %get3A_192 = vector.shape_cast %get3A_191 : vector<1x16xf32> to vector<16xf32>
        %add3A = arith.addf %get3A_192, %broadcast_in_dim3A_4 : vector<16xf32>
        %swap3A = arith.index_cast %sub3A_180 : i32 to index
        %swap3A_193 = arith.constant 0 : index
        %swap3A_194 = tpu.vector_load %arg5[%swap3A, %swap3A_193] {strides = array<i32>} : memref<64x16xf32, #tpu.memory_space<vmem>>, vector<1x16xf32>,
        %swap3A_195 = vector.shape_cast %swap3A_194 : vector<1x16xf32> to vector<16xf32>
        %swap3A_196 = vector.shape_cast %add3A : vector<16xf32> to vector<1x16xf32>
        tpu.vector_store %arg5[%swap3A, %swap3A_193], %swap3A_196 {strides = array<i32>} : memref<64x16xf32, #tpu.memory_space<vmem>>, vector<1x16xf32>,
      } else {
      }
    }
    %scan3A_15 = arith.constant 8 : i32
    "tpu.region"() ({
      %run_scoped3A = tpu.sem_alloc : memref<!tpu.dma_semaphore, #tpu.memory_space<semaphore_mem>>
      %dma_start3A = arith.constant 0 : i32
      %dma_start3A_16 = tpu.memref_slice %arg3[%min3A_1, %dma_start3A] : memref<1000x16xf32, #tpu.memory_space<hbm>> -> memref<64x16xf32, #tpu.memory_space<hbm>>
      %dma_start3A_17 = arith.constant 0 : i32
      %dma_start3A_18 = tpu.memref_slice %arg3[%min3A_1, %dma_start3A_17] : memref<1000x16xf32, #tpu.memory_space<hbm>> -> memref<64x16xf32, #tpu.memory_space<hbm>>
      tpu.enqueue_dma source(%arg5 : memref<64x16xf32, #tpu.memory_space<vmem>>) target(%dma_start3A_18 : memref<64x16xf32, #tpu.memory_space<hbm>>) target_semaphore(%run_scoped3A : memref<!tpu.dma_semaphore, #tpu.memory_space<semaphore_mem>>)
      %dma_wait3A = arith.constant 0 : i32
      %dma_wait3A_19 = tpu.memref_slice %arg3[%min3A_1, %dma_wait3A] : memref<1000x16xf32, #tpu.memory_space<hbm>> -> memref<64x16xf32, #tpu.memory_space<hbm>>
      %dma_wait3A_20 = arith.constant 0 : i32
      %dma_wait3A_21 = tpu.memref_slice %arg3[%min3A_1, %dma_wait3A_20] : memref<1000x16xf32, #tpu.memory_space<hbm>> -> memref<64x16xf32, #tpu.memory_space<hbm>>
      tpu.wait_dma2 semaphore(%run_scoped3A : memref<!tpu.dma_semaphore, #tpu.memory_space<semaphore_mem>>) src(%arg5 : memref<64x16xf32, #tpu.memory_space<vmem>>) dst(%dma_wait3A_21 : memref<64x16xf32, #tpu.memory_space<hbm>>)
      tpu.yield
    }) : () -> ()
    return
  }
}

module attributes {stable_mosaic.version = 14 : i64} {
  func.func @_main_kernel(%arg0: i32, %arg1: memref<1x256x4096xf32, #tpu.memory_space<vmem>>, %arg2: memref<1x16x4xf32, #tpu.memory_space<vmem>>, %arg3: memref<1x1x4xf32, #tpu.memory_space<vmem>>, %arg4: memref<256x512xf32, #tpu.memory_space<vmem>>, %arg5: memref<1x512xf32, #tpu.memory_space<vmem>>, %arg6: memref<1x512xf32, #tpu.memory_space<vmem>>, %arg7: memref<128x1xi32, #tpu.memory_space<vmem>>, %arg8: memref<1000x1xf32, #tpu.memory_space<vmem>>, %arg9: memref<1000x512xf32, #tpu.memory_space<vmem>>, %arg10: memref<1000x512xf32, #tpu.memory_space<vmem>>, %arg11: memref<8x1000x512xf32, #tpu.memory_space<vmem>>, %arg12: memref<136x256xf32, #tpu.memory_space<vmem>>) attributes {dimension_semantics = [#tpu.dimension_semantics<arbitrary>], iteration_bounds = array<i64: 8>, scalar_prefetch = 0 : i64, scratch_operands = 1 : i64, tpu.core_type = #tpu.core_type<tc>, window_params = [{transform_indices = @transform_0, window_bounds = array<i64: 1, 256, 4096>}, {transform_indices = @transform_1, window_bounds = array<i64: 1, 16, 4>}, {transform_indices = @transform_2, window_bounds = array<i64: 1, 1, 4>}, {pipeline_mode = #tpu.pipeline_mode<synchronous>, transform_indices = @transform_3, window_bounds = array<i64: 256, 512>}, {pipeline_mode = #tpu.pipeline_mode<synchronous>, transform_indices = @transform_4, window_bounds = array<i64: 1, 512>}, {pipeline_mode = #tpu.pipeline_mode<synchronous>, transform_indices = @transform_5, window_bounds = array<i64: 1, 512>}, {pipeline_mode = #tpu.pipeline_mode<synchronous>, transform_indices = @transform_6, window_bounds = array<i64: 128, 1>}, {pipeline_mode = #tpu.pipeline_mode<synchronous>, transform_indices = @transform_7, window_bounds = array<i64: 1000, 1>}, {pipeline_mode = #tpu.pipeline_mode<synchronous>, transform_indices = @transform_8, window_bounds = array<i64: 1000, 512>}, {pipeline_mode = #tpu.pipeline_mode<synchronous>, transform_indices = @transform_9, window_bounds = array<i64: 1000, 512>}, {pipeline_mode = #tpu.pipeline_mode<synchronous>, transform_indices = @transform_10, window_bounds = array<i64: 8, 1000, 512>}]} {
    %get3A = arith.constant 0 : index
    %get3A_0 = arith.constant 0 : index
    %get3A_1 = arith.constant 0 : index
    %get3A_2 = vector.load %arg1[%get3A, %get3A_0, %get3A_1] : memref<1x256x4096xf32, #tpu.memory_space<vmem>>, vector<1x256x4096xf32>
    %get3A_3 = vector.shape_cast %get3A_2 : vector<1x256x4096xf32> to vector<256x4096xf32>
    %get3A_4 = arith.constant 0 : index
    %get3A_5 = arith.constant 0 : index
    %get3A_6 = arith.constant 0 : index
    %get3A_7 = vector.load %arg2[%get3A_4, %get3A_5, %get3A_6] : memref<1x16x4xf32, #tpu.memory_space<vmem>>, vector<1x16x4xf32>
    %get3A_8 = vector.shape_cast %get3A_7 : vector<1x16x4xf32> to vector<16x4xf32>
    %get3A_9 = arith.constant 0 : index
    %get3A_10 = arith.constant 0 : index
    %get3A_11 = arith.constant 0 : index
    %get3A_12 = vector.load %arg3[%get3A_9, %get3A_10, %get3A_11] : memref<1x1x4xf32, #tpu.memory_space<vmem>>, vector<1x1x4xf32>
    %get3A_13 = vector.shape_cast %get3A_12 : vector<1x1x4xf32> to vector<1x4xf32>
    %slice3A = vector.extract_strided_slice %get3A_13 {offsets = [0, 0], sizes = [1, 1], strides = [1, 1]} : vector<1x4xf32> to vector<1x1xf32>
    %max3A = arith.constant 1.000000e+00 : f32
    %max3A_14 = vector.broadcast %max3A : f32 to vector<1x1xf32>
    %max3A_15 = arith.maximumf %slice3A, %max3A_14 : vector<1x1xf32>
    %slice3A_16 = vector.extract_strided_slice %get3A_13 {offsets = [0, 1], sizes = [1, 1], strides = [1, 1]} : vector<1x4xf32> to vector<1x1xf32>
    %max3A_17 = arith.constant 1.000000e+00 : f32
    %max3A_18 = vector.broadcast %max3A_17 : f32 to vector<1x1xf32>
    %max3A_19 = arith.maximumf %slice3A_16, %max3A_18 : vector<1x1xf32>
    %mul3A = vector.broadcast %get3A_13 : vector<1x4xf32> to vector<16x4xf32>
    %mul3A_20 = arith.mulf %get3A_8, %mul3A : vector<16x4xf32>
    %slice3A_21 = vector.extract_strided_slice %mul3A_20 {offsets = [0, 0], sizes = [16, 1], strides = [1, 1]} : vector<16x4xf32> to vector<16x1xf32>
    %div3A = vector.broadcast %max3A_15 : vector<1x1xf32> to vector<16x1xf32>
    %div3A_22 = arith.divf %slice3A_21, %div3A : vector<16x1xf32>
    %mul3A_23 = arith.constant 6.400000e+01 : f32
    %mul3A_24 = vector.broadcast %mul3A_23 : f32 to vector<16x1xf32>
    %mul3A_25 = arith.mulf %div3A_22, %mul3A_24 : vector<16x1xf32>
    %floor3A = math.floor %mul3A_25 : vector<16x1xf32>
    %jit3A = arith.constant 0.000000e+00 : f32
    %jit3A_26 = arith.constant 6.300000e+01 : f32
    %max3A_27 = vector.broadcast %jit3A : f32 to vector<16x1xf32>
    %max3A_28 = arith.maximumf %max3A_27, %floor3A : vector<16x1xf32>
    %min3A = vector.broadcast %jit3A_26 : f32 to vector<16x1xf32>
    %min3A_29 = arith.minimumf %min3A, %max3A_28 : vector<16x1xf32>
    %slice3A_30 = vector.extract_strided_slice %mul3A_20 {offsets = [0, 1], sizes = [16, 1], strides = [1, 1]} : vector<16x4xf32> to vector<16x1xf32>
    %div3A_31 = vector.broadcast %max3A_19 : vector<1x1xf32> to vector<16x1xf32>
    %div3A_32 = arith.divf %slice3A_30, %div3A_31 : vector<16x1xf32>
    %mul3A_33 = arith.constant 6.400000e+01 : f32
    %mul3A_34 = vector.broadcast %mul3A_33 : f32 to vector<16x1xf32>
    %mul3A_35 = arith.mulf %div3A_32, %mul3A_34 : vector<16x1xf32>
    %floor3A_36 = math.floor %mul3A_35 : vector<16x1xf32>
    %jit3A_37 = arith.constant 0.000000e+00 : f32
    %jit3A_38 = arith.constant 6.300000e+01 : f32
    %max3A_39 = vector.broadcast %jit3A_37 : f32 to vector<16x1xf32>
    %max3A_40 = arith.maximumf %max3A_39, %floor3A_36 : vector<16x1xf32>
    %min3A_41 = vector.broadcast %jit3A_38 : f32 to vector<16x1xf32>
    %min3A_42 = arith.minimumf %min3A_41, %max3A_40 : vector<16x1xf32>
    %add3A = arith.constant 1.000000e+00 : f32
    %add3A_43 = vector.broadcast %add3A : f32 to vector<16x1xf32>
    %add3A_44 = arith.addf %min3A_29, %add3A_43 : vector<16x1xf32>
    %slice3A_45 = vector.extract_strided_slice %mul3A_20 {offsets = [0, 2], sizes = [16, 1], strides = [1, 1]} : vector<16x4xf32> to vector<16x1xf32>
    %div3A_46 = vector.broadcast %max3A_15 : vector<1x1xf32> to vector<16x1xf32>
    %div3A_47 = arith.divf %slice3A_45, %div3A_46 : vector<16x1xf32>
    %mul3A_48 = arith.constant 6.400000e+01 : f32
    %mul3A_49 = vector.broadcast %mul3A_48 : f32 to vector<16x1xf32>
    %mul3A_50 = arith.mulf %div3A_47, %mul3A_49 : vector<16x1xf32>
    %ceil3A = math.ceil %mul3A_50 : vector<16x1xf32>
    %min3A_51 = arith.constant 6.400000e+01 : f32
    %min3A_52 = vector.broadcast %min3A_51 : f32 to vector<16x1xf32>
    %min3A_53 = arith.minimumf %min3A_52, %ceil3A : vector<16x1xf32>
    %max3A_54 = arith.maximumf %add3A_44, %min3A_53 : vector<16x1xf32>
    %add3A_55 = arith.constant 1.000000e+00 : f32
    %add3A_56 = vector.broadcast %add3A_55 : f32 to vector<16x1xf32>
    %add3A_57 = arith.addf %min3A_42, %add3A_56 : vector<16x1xf32>
    %slice3A_58 = vector.extract_strided_slice %mul3A_20 {offsets = [0, 3], sizes = [16, 1], strides = [1, 1]} : vector<16x4xf32> to vector<16x1xf32>
    %div3A_59 = vector.broadcast %max3A_19 : vector<1x1xf32> to vector<16x1xf32>
    %div3A_60 = arith.divf %slice3A_58, %div3A_59 : vector<16x1xf32>
    %mul3A_61 = arith.constant 6.400000e+01 : f32
    %mul3A_62 = vector.broadcast %mul3A_61 : f32 to vector<16x1xf32>
    %mul3A_63 = arith.mulf %div3A_60, %mul3A_62 : vector<16x1xf32>
    %ceil3A_64 = math.ceil %mul3A_63 : vector<16x1xf32>
    %min3A_65 = arith.constant 6.400000e+01 : f32
    %min3A_66 = vector.broadcast %min3A_65 : f32 to vector<16x1xf32>
    %min3A_67 = arith.minimumf %min3A_66, %ceil3A_64 : vector<16x1xf32>
    %max3A_68 = arith.maximumf %add3A_57, %min3A_67 : vector<16x1xf32>
    %iota3A = tpu.iota {dimensions = array<i32: 1>} : vector<16x4096xi32>
    %jit3A_69 = arith.constant 64 : i32
    %div3A_70 = vector.broadcast %jit3A_69 : i32 to vector<16x4096xi32>
    %div3A_71 = arith.divsi %iota3A, %div3A_70 : vector<16x4096xi32>
    %sign3A = arith.constant 0 : i32
    %sign3A_72 = vector.broadcast %sign3A : i32 to vector<16x4096xi32>
    %sign3A_73 = arith.cmpi sgt, %iota3A, %sign3A_72 : vector<16x4096xi32>
    %sign3A_74 = arith.extui %sign3A_73 : vector<16x4096xi1> to vector<16x4096xi32>
    %sign3A_75 = arith.constant 0 : i32
    %sign3A_76 = vector.broadcast %sign3A_75 : i32 to vector<16x4096xi32>
    %sign3A_77 = arith.cmpi slt, %iota3A, %sign3A_76 : vector<16x4096xi32>
    %sign3A_78 = arith.extui %sign3A_77 : vector<16x4096xi1> to vector<16x4096xi32>
    %sign3A_79 = arith.subi %sign3A_74, %sign3A_78 : vector<16x4096xi32>
    %sign3A_80 = arith.constant 0 : i32
    %sign3A_81 = arith.cmpi sgt, %jit3A_69, %sign3A_80 : i32
    %sign3A_82 = arith.extui %sign3A_81 : i1 to i32
    %sign3A_83 = arith.constant 0 : i32
    %sign3A_84 = arith.cmpi slt, %jit3A_69, %sign3A_83 : i32
    %sign3A_85 = arith.extui %sign3A_84 : i1 to i32
    %sign3A_86 = arith.subi %sign3A_82, %sign3A_85 : i32
    %ne3A = vector.broadcast %sign3A_86 : i32 to vector<16x4096xi32>
    %ne3A_87 = arith.cmpi ne, %sign3A_79, %ne3A : vector<16x4096xi32>
    %rem3A = vector.broadcast %jit3A_69 : i32 to vector<16x4096xi32>
    %rem3A_88 = arith.remsi %iota3A, %rem3A : vector<16x4096xi32>
    %ne3A_89 = arith.constant 0 : i32
    %ne3A_90 = vector.broadcast %ne3A_89 : i32 to vector<16x4096xi32>
    %ne3A_91 = arith.cmpi ne, %rem3A_88, %ne3A_90 : vector<16x4096xi32>
    %and3A = arith.andi %ne3A_87, %ne3A_91 : vector<16x4096xi1>
    %sub3A = arith.constant 1 : i32
    %sub3A_92 = vector.broadcast %sub3A : i32 to vector<16x4096xi32>
    %sub3A_93 = arith.subi %div3A_71, %sub3A_92 : vector<16x4096xi32>
    %select_n3A = arith.select %and3A, %sub3A_93, %div3A_71 : vector<16x4096xi1>, vector<16x4096xi32>
    %convert_element_type3A = arith.sitofp %select_n3A : vector<16x4096xi32> to vector<16x4096xf32>
    %jit3A_94 = arith.constant 64 : i32
    %eq3A = arith.constant 0 : i32
    %eq3A_95 = arith.cmpi eq, %jit3A_94, %eq3A : i32
    %jit3A_96 = arith.constant 1 : i32
    %select_n3A_97 = arith.select %eq3A_95, %jit3A_96, %jit3A_94 : i32
    %rem3A_98 = vector.broadcast %select_n3A_97 : i32 to vector<16x4096xi32>
    %rem3A_99 = arith.remsi %iota3A, %rem3A_98 : vector<16x4096xi32>
    %ne3A_100 = arith.constant 0 : i32
    %ne3A_101 = vector.broadcast %ne3A_100 : i32 to vector<16x4096xi32>
    %ne3A_102 = arith.cmpi ne, %rem3A_99, %ne3A_101 : vector<16x4096xi32>
    %lt3A = arith.constant 0 : i32
    %lt3A_103 = vector.broadcast %lt3A : i32 to vector<16x4096xi32>
    %lt3A_104 = arith.cmpi slt, %rem3A_99, %lt3A_103 : vector<16x4096xi32>
    %lt3A_105 = arith.constant 0 : i32
    %lt3A_106 = arith.cmpi slt, %select_n3A_97, %lt3A_105 : i32
    %ne3A_107 = vector.broadcast %lt3A_106 : i1 to vector<16x4096xi1>
    %ne3A_108 = vector.broadcast %ne3A_107 : vector<16x4096xi1> to vector<16x4096xi1>
    %ne3A_109 = arith.xori %lt3A_104, %ne3A_108 : vector<16x4096xi1>
    %and3A_110 = arith.andi %ne3A_109, %ne3A_102 : vector<16x4096xi1>
    %add3A_111 = vector.broadcast %select_n3A_97 : i32 to vector<16x4096xi32>
    %add3A_112 = arith.addi %rem3A_99, %add3A_111 : vector<16x4096xi32>
    %select_n3A_113 = arith.select %and3A_110, %add3A_112, %rem3A_99 : vector<16x4096xi1>, vector<16x4096xi32>
    %convert_element_type3A_114 = arith.sitofp %select_n3A_113 : vector<16x4096xi32> to vector<16x4096xf32>
    %ge3A = vector.broadcast %min3A_42 : vector<16x1xf32> to vector<16x4096xf32>
    %ge3A_115 = arith.cmpf oge, %convert_element_type3A, %ge3A : vector<16x4096xf32>
    %lt3A_116 = vector.broadcast %max3A_68 : vector<16x1xf32> to vector<16x4096xf32>
    %lt3A_117 = arith.cmpf olt, %convert_element_type3A, %lt3A_116 : vector<16x4096xf32>
    %and3A_118 = arith.andi %ge3A_115, %lt3A_117 : vector<16x4096xi1>
    %ge3A_119 = vector.broadcast %min3A_29 : vector<16x1xf32> to vector<16x4096xf32>
    %ge3A_120 = arith.cmpf oge, %convert_element_type3A_114, %ge3A_119 : vector<16x4096xf32>
    %and3A_121 = arith.andi %and3A_118, %ge3A_120 : vector<16x4096xi1>
    %lt3A_122 = vector.broadcast %max3A_54 : vector<16x1xf32> to vector<16x4096xf32>
    %lt3A_123 = arith.cmpf olt, %convert_element_type3A_114, %lt3A_122 : vector<16x4096xf32>
    %and3A_124 = arith.andi %and3A_121, %lt3A_123 : vector<16x4096xi1>
    %convert_element_type3A_125 = arith.extui %and3A_124 : vector<16x4096xi1> to vector<16x4096xi32>
    %convert_element_type3A_126 = arith.sitofp %convert_element_type3A_125 : vector<16x4096xi32> to vector<16x4096xf32>
    %broadcast_in_dim3A = arith.constant 1.000000e+00 : f32
    %broadcast_in_dim3A_127 = vector.broadcast %broadcast_in_dim3A : f32 to vector<1x4096xf32>
    %concatenate3A = tpu.concatenate %convert_element_type3A_126, %broadcast_in_dim3A_127 in 0 : vector<16x4096xf32>, vector<1x4096xf32> -> vector<17x4096xf32>
    %dot_general3A = arith.constant dense<0.000000e+00> : vector<17x256xf32>
    %dot_general3A_128 = tpu.matmul %concatenate3A, %get3A_3, %dot_general3A {dimension_numbers = #tpu.dot_dimension_numbers<[1], [1], [0], [0], [0, 0, 1, 0], [], []>, transpose_lhs_hint = false} : vector<17x4096xf32>, vector<256x4096xf32>, vector<17x256xf32> -> vector<17x256xf32>
    %sub3A_129 = arith.subf %max3A_54, %min3A_29 : vector<16x1xf32>
    %sub3A_130 = arith.subf %max3A_68, %min3A_42 : vector<16x1xf32>
    %mul3A_131 = arith.mulf %sub3A_129, %sub3A_130 : vector<16x1xf32>
    %slice3A_132 = vector.extract_strided_slice %dot_general3A_128 {offsets = [0, 0], sizes = [16, 256], strides = [1, 1]} : vector<17x256xf32> to vector<16x256xf32>
    %max3A_133 = arith.constant 1.000000e+00 : f32
    %max3A_134 = vector.broadcast %max3A_133 : f32 to vector<16x1xf32>
    %max3A_135 = arith.maximumf %mul3A_131, %max3A_134 : vector<16x1xf32>
    %div3A_136 = vector.broadcast %max3A_135 : vector<16x1xf32> to vector<16x256xf32>
    %div3A_137 = arith.divf %slice3A_132, %div3A_136 : vector<16x256xf32>
    %mul3A_138 = arith.constant 16 : i32
    %mul3A_139 = arith.muli %arg0, %mul3A_138 : i32
    %swap3A = arith.index_cast %mul3A_139 : i32 to index
    %swap3A_140 = arith.constant 0 : index
    %swap3A_141 = vector.load %arg12[%swap3A, %swap3A_140] : memref<136x256xf32, #tpu.memory_space<vmem>>, vector<16x256xf32>
    tpu.vector_store %arg12[%swap3A, %swap3A_140], %div3A_137 {strides = array<i32>} : memref<136x256xf32, #tpu.memory_space<vmem>>, vector<16x256xf32>,
    %slice3A_142 = vector.extract_strided_slice %dot_general3A_128 {offsets = [16, 0], sizes = [1, 256], strides = [1, 1]} : vector<17x256xf32> to vector<1x256xf32>
    %mul3A_143 = arith.constant 2.44140625E-4 : f32
    %mul3A_144 = vector.broadcast %mul3A_143 : f32 to vector<1x256xf32>
    %mul3A_145 = arith.mulf %slice3A_142, %mul3A_144 : vector<1x256xf32>
    %add3A_146 = arith.constant 128 : i32
    %add3A_147 = arith.addi %add3A_146, %arg0 : i32
    %swap3A_148 = arith.index_cast %add3A_147 : i32 to index
    %swap3A_149 = arith.constant 0 : index
    %swap3A_150 = vector.load %arg12[%swap3A_148, %swap3A_149] : memref<136x256xf32, #tpu.memory_space<vmem>>, vector<1x256xf32>
    tpu.vector_store %arg12[%swap3A_148, %swap3A_149], %mul3A_145 {strides = array<i32>} : memref<136x256xf32, #tpu.memory_space<vmem>>, vector<1x256xf32>,
    %eq3A_151 = arith.constant 7 : i32
    %eq3A_152 = arith.cmpi eq, %arg0, %eq3A_151 : i32
    %convert_element_type3A_153 = arith.extui %eq3A_152 : i1 to i32
    %cond3A = arith.constant 0 : i32
    %cond3A_154 = arith.cmpi ne, %convert_element_type3A_153, %cond3A : i32
    scf.if %cond3A_154 {
      %get3A_155 = arith.constant 0 : index
      %get3A_156 = arith.constant 0 : index
      %get3A_157 = vector.load %arg12[%get3A_155, %get3A_156] : memref<136x256xf32, #tpu.memory_space<vmem>>, vector<136x256xf32>
      %get3A_158 = arith.constant 0 : index
      %get3A_159 = arith.constant 0 : index
      %get3A_160 = vector.load %arg4[%get3A_158, %get3A_159] : memref<256x512xf32, #tpu.memory_space<vmem>>, vector<256x512xf32>
      %dot_general3A_161 = arith.constant dense<0.000000e+00> : vector<136x512xf32>
      %dot_general3A_162 = tpu.matmul %get3A_157, %get3A_160, %dot_general3A_161 {dimension_numbers = #tpu.dot_dimension_numbers<[1], [0], [0], [1], [0, 0, 1, 1], [], []>, transpose_lhs_hint = false} : vector<136x256xf32>, vector<256x512xf32>, vector<136x512xf32> -> vector<136x512xf32>
      %reduce_sum3A = arith.constant dense<0.000000e+00> : vector<136xf32>
      %reduce_sum3A_163 = vector.multi_reduction <add>, %dot_general3A_162, %reduce_sum3A [1] : vector<136x512xf32> to vector<136xf32>
      %broadcast_in_dim3A_164 = vector.shape_cast %reduce_sum3A_163 : vector<136xf32> to vector<136x1xf32>
      %div3A_165 = arith.constant 5.120000e+02 : f32
      %div3A_166 = vector.broadcast %div3A_165 : f32 to vector<136x1xf32>
      %div3A_167 = arith.divf %broadcast_in_dim3A_164, %div3A_166 : vector<136x1xf32>
      %sub3A_168 = vector.broadcast %div3A_167 : vector<136x1xf32> to vector<136x512xf32>
      %sub3A_169 = arith.subf %dot_general3A_162, %sub3A_168 : vector<136x512xf32>
      %integer_pow3A = arith.mulf %sub3A_169, %sub3A_169 : vector<136x512xf32>
      %reduce_sum3A_170 = arith.constant dense<0.000000e+00> : vector<136xf32>
      %reduce_sum3A_171 = vector.multi_reduction <add>, %integer_pow3A, %reduce_sum3A_170 [1] : vector<136x512xf32> to vector<136xf32>
      %broadcast_in_dim3A_172 = vector.shape_cast %reduce_sum3A_171 : vector<136xf32> to vector<136x1xf32>
      %div3A_173 = arith.constant 5.120000e+02 : f32
      %div3A_174 = vector.broadcast %div3A_173 : f32 to vector<136x1xf32>
      %div3A_175 = arith.divf %broadcast_in_dim3A_172, %div3A_174 : vector<136x1xf32>
      %sub3A_176 = vector.broadcast %div3A_167 : vector<136x1xf32> to vector<136x512xf32>
      %sub3A_177 = arith.subf %dot_general3A_162, %sub3A_176 : vector<136x512xf32>
      %add3A_178 = arith.constant 9.99999974E-6 : f32
      %add3A_179 = vector.broadcast %add3A_178 : f32 to vector<136x1xf32>
      %add3A_180 = arith.addf %div3A_175, %add3A_179 : vector<136x1xf32>
      %sqrt3A = math.sqrt %add3A_180 : vector<136x1xf32>
      %div3A_181 = vector.broadcast %sqrt3A : vector<136x1xf32> to vector<136x512xf32>
      %div3A_182 = arith.divf %sub3A_177, %div3A_181 : vector<136x512xf32>
      %get3A_183 = arith.constant 0 : index
      %get3A_184 = arith.constant 0 : index
      %get3A_185 = vector.load %arg5[%get3A_183, %get3A_184] : memref<1x512xf32, #tpu.memory_space<vmem>>, vector<1x512xf32>
      %mul3A_186 = vector.broadcast %get3A_185 : vector<1x512xf32> to vector<136x512xf32>
      %mul3A_187 = arith.mulf %div3A_182, %mul3A_186 : vector<136x512xf32>
      %get3A_188 = arith.constant 0 : index
      %get3A_189 = arith.constant 0 : index
      %get3A_190 = vector.load %arg6[%get3A_188, %get3A_189] : memref<1x512xf32, #tpu.memory_space<vmem>>, vector<1x512xf32>
      %add3A_191 = vector.broadcast %get3A_190 : vector<1x512xf32> to vector<136x512xf32>
      %add3A_192 = arith.addf %mul3A_187, %add3A_191 : vector<136x512xf32>
      %mul3A_193 = arith.mulf %add3A_192, %add3A_192 : vector<136x512xf32>
      %reduce_sum3A_194 = arith.constant dense<0.000000e+00> : vector<136xf32>
      %reduce_sum3A_195 = vector.multi_reduction <add>, %mul3A_193, %reduce_sum3A_194 [1] : vector<136x512xf32> to vector<136xf32>
      %broadcast_in_dim3A_196 = vector.shape_cast %reduce_sum3A_195 : vector<136xf32> to vector<136x1xf32>
      %sqrt3A_197 = math.sqrt %broadcast_in_dim3A_196 : vector<136x1xf32>
      %max3A_198 = arith.constant 9.99999997E-7 : f32
      %max3A_199 = vector.broadcast %max3A_198 : f32 to vector<136x1xf32>
      %max3A_200 = arith.maximumf %sqrt3A_197, %max3A_199 : vector<136x1xf32>
      %div3A_201 = vector.broadcast %max3A_200 : vector<136x1xf32> to vector<136x512xf32>
      %div3A_202 = arith.divf %add3A_192, %div3A_201 : vector<136x512xf32>
      %slice3A_203 = vector.extract_strided_slice %div3A_202 {offsets = [0, 0], sizes = [128, 512], strides = [1, 1]} : vector<136x512xf32> to vector<128x512xf32>
      %slice3A_204 = vector.extract_strided_slice %div3A_202 {offsets = [128, 0], sizes = [8, 512], strides = [1, 1]} : vector<136x512xf32> to vector<8x512xf32>
      %get3A_205 = arith.constant 0 : index
      %get3A_206 = arith.constant 0 : index
      %get3A_207 = vector.load %arg7[%get3A_205, %get3A_206] : memref<128x1xi32, #tpu.memory_space<vmem>>, vector<128x1xi32>
      %iota3A_208 = tpu.iota {dimensions = array<i32: 1>} : vector<128x1000xi32>
      %eq3A_209 = vector.broadcast %get3A_207 : vector<128x1xi32> to vector<128x1000xi32>
      %eq3A_210 = arith.cmpi eq, %eq3A_209, %iota3A_208 : vector<128x1000xi32>
      %convert_element_type3A_211 = arith.extui %eq3A_210 : vector<128x1000xi1> to vector<128x1000xi32>
      %convert_element_type3A_212 = arith.sitofp %convert_element_type3A_211 : vector<128x1000xi32> to vector<128x1000xf32>
      %dot_general3A_213 = arith.constant dense<0.000000e+00> : vector<1000x512xf32>
      %dot_general3A_214 = tpu.matmul %convert_element_type3A_212, %slice3A_203, %dot_general3A_213 {dimension_numbers = #tpu.dot_dimension_numbers<[0], [0], [1], [1], [0, 1, 1, 1], [], []>, transpose_lhs_hint = false} : vector<128x1000xf32>, vector<128x512xf32>, vector<1000x512xf32> -> vector<1000x512xf32>
      %get3A_215 = arith.constant 0 : index
      %get3A_216 = arith.constant 0 : index
      %get3A_217 = vector.load %arg8[%get3A_215, %get3A_216] : memref<1000x1xf32, #tpu.memory_space<vmem>>, vector<1000x1xf32>
      %max3A_218 = arith.constant 1.000000e+00 : f32
      %max3A_219 = vector.broadcast %max3A_218 : f32 to vector<1000x1xf32>
      %max3A_220 = arith.maximumf %get3A_217, %max3A_219 : vector<1000x1xf32>
      %div3A_221 = vector.broadcast %max3A_220 : vector<1000x1xf32> to vector<1000x512xf32>
      %div3A_222 = arith.divf %dot_general3A_214, %div3A_221 : vector<1000x512xf32>
      %mul3A_223 = arith.mulf %div3A_222, %div3A_222 : vector<1000x512xf32>
      %reduce_sum3A_224 = arith.constant dense<0.000000e+00> : vector<1000xf32>
      %reduce_sum3A_225 = vector.multi_reduction <add>, %mul3A_223, %reduce_sum3A_224 [1] : vector<1000x512xf32> to vector<1000xf32>
      %broadcast_in_dim3A_226 = vector.shape_cast %reduce_sum3A_225 : vector<1000xf32> to vector<1000x1xf32>
      %sqrt3A_227 = math.sqrt %broadcast_in_dim3A_226 : vector<1000x1xf32>
      %max3A_228 = arith.constant 9.99999997E-7 : f32
      %max3A_229 = vector.broadcast %max3A_228 : f32 to vector<1000x1xf32>
      %max3A_230 = arith.maximumf %sqrt3A_227, %max3A_229 : vector<1000x1xf32>
      %div3A_231 = vector.broadcast %max3A_230 : vector<1000x1xf32> to vector<1000x512xf32>
      %div3A_232 = arith.divf %div3A_222, %div3A_231 : vector<1000x512xf32>
      %gt3A = arith.constant 0.000000e+00 : f32
      %gt3A_233 = vector.broadcast %gt3A : f32 to vector<1000x1xf32>
      %gt3A_234 = arith.cmpf ogt, %get3A_217, %gt3A_233 : vector<1000x1xf32>
      %get3A_235 = arith.constant 0 : index
      %get3A_236 = arith.constant 0 : index
      %get3A_237 = vector.load %arg9[%get3A_235, %get3A_236] : memref<1000x512xf32, #tpu.memory_space<vmem>>, vector<1000x512xf32>
      %broadcast_in_dim3A_238 = vector.shape_cast %gt3A_234 : vector<1000x1xi1> to vector<1000x1xi1>
      %broadcast_in_dim3A_239 = vector.broadcast %broadcast_in_dim3A_238 : vector<1000x1xi1> to vector<1000x512xi1>
      %select_n3A_240 = arith.select %broadcast_in_dim3A_239, %div3A_232, %get3A_237 : vector<1000x512xi1>, vector<1000x512xf32>
      %dot_general3A_241 = arith.constant dense<0.000000e+00> : vector<8x1000xf32>
      %dot_general3A_242 = tpu.matmul %slice3A_204, %select_n3A_240, %dot_general3A_241 {dimension_numbers = #tpu.dot_dimension_numbers<[1], [1], [0], [0], [0, 0, 1, 0], [], []>, transpose_lhs_hint = false} : vector<8x512xf32>, vector<1000x512xf32>, vector<8x1000xf32> -> vector<8x1000xf32>
      %reduce_max3A = arith.constant dense<0xFF800000> : vector<8xf32>
      %reduce_max3A_243 = vector.multi_reduction <maximumf>, %dot_general3A_242, %reduce_max3A [1] : vector<8x1000xf32> to vector<8xf32>
      %broadcast_in_dim3A_244 = vector.shape_cast %reduce_max3A_243 : vector<8xf32> to vector<8x1xf32>
      %sub3A_245 = vector.broadcast %broadcast_in_dim3A_244 : vector<8x1xf32> to vector<8x1000xf32>
      %sub3A_246 = arith.subf %dot_general3A_242, %sub3A_245 : vector<8x1000xf32>
      %exp3A = math.exp %sub3A_246 : vector<8x1000xf32>
      %reduce_sum3A_247 = arith.constant dense<0.000000e+00> : vector<8xf32>
      %reduce_sum3A_248 = vector.multi_reduction <add>, %exp3A, %reduce_sum3A_247 [1] : vector<8x1000xf32> to vector<8xf32>
      %broadcast_in_dim3A_249 = vector.shape_cast %reduce_sum3A_248 : vector<8xf32> to vector<8x1xf32>
      %div3A_250 = vector.broadcast %broadcast_in_dim3A_249 : vector<8x1xf32> to vector<8x1000xf32>
      %div3A_251 = arith.divf %exp3A, %div3A_250 : vector<8x1000xf32>
      %iota3A_252 = tpu.iota {dimensions = array<i32: 1>} : vector<8x128xi32>
      %jit3A_253 = arith.constant 16 : i32
      %div3A_254 = vector.broadcast %jit3A_253 : i32 to vector<8x128xi32>
      %div3A_255 = arith.divsi %iota3A_252, %div3A_254 : vector<8x128xi32>
      %sign3A_256 = arith.constant 0 : i32
      %sign3A_257 = vector.broadcast %sign3A_256 : i32 to vector<8x128xi32>
      %sign3A_258 = arith.cmpi sgt, %iota3A_252, %sign3A_257 : vector<8x128xi32>
      %sign3A_259 = arith.extui %sign3A_258 : vector<8x128xi1> to vector<8x128xi32>
      %sign3A_260 = arith.constant 0 : i32
      %sign3A_261 = vector.broadcast %sign3A_260 : i32 to vector<8x128xi32>
      %sign3A_262 = arith.cmpi slt, %iota3A_252, %sign3A_261 : vector<8x128xi32>
      %sign3A_263 = arith.extui %sign3A_262 : vector<8x128xi1> to vector<8x128xi32>
      %sign3A_264 = arith.subi %sign3A_259, %sign3A_263 : vector<8x128xi32>
      %sign3A_265 = arith.constant 0 : i32
      %sign3A_266 = arith.cmpi sgt, %jit3A_253, %sign3A_265 : i32
      %sign3A_267 = arith.extui %sign3A_266 : i1 to i32
      %sign3A_268 = arith.constant 0 : i32
      %sign3A_269 = arith.cmpi slt, %jit3A_253, %sign3A_268 : i32
      %sign3A_270 = arith.extui %sign3A_269 : i1 to i32
      %sign3A_271 = arith.subi %sign3A_267, %sign3A_270 : i32
      %ne3A_272 = vector.broadcast %sign3A_271 : i32 to vector<8x128xi32>
      %ne3A_273 = arith.cmpi ne, %sign3A_264, %ne3A_272 : vector<8x128xi32>
      %rem3A_274 = vector.broadcast %jit3A_253 : i32 to vector<8x128xi32>
      %rem3A_275 = arith.remsi %iota3A_252, %rem3A_274 : vector<8x128xi32>
      %ne3A_276 = arith.constant 0 : i32
      %ne3A_277 = vector.broadcast %ne3A_276 : i32 to vector<8x128xi32>
      %ne3A_278 = arith.cmpi ne, %rem3A_275, %ne3A_277 : vector<8x128xi32>
      %and3A_279 = arith.andi %ne3A_273, %ne3A_278 : vector<8x128xi1>
      %sub3A_280 = arith.constant 1 : i32
      %sub3A_281 = vector.broadcast %sub3A_280 : i32 to vector<8x128xi32>
      %sub3A_282 = arith.subi %div3A_255, %sub3A_281 : vector<8x128xi32>
      %select_n3A_283 = arith.select %and3A_279, %sub3A_282, %div3A_255 : vector<8x128xi1>, vector<8x128xi32>
      %iota3A_284 = tpu.iota {dimensions = array<i32: 0>} : vector<8x128xi32>
      %eq3A_285 = arith.cmpi eq, %select_n3A_283, %iota3A_284 : vector<8x128xi32>
      %convert_element_type3A_286 = arith.extui %eq3A_285 : vector<8x128xi1> to vector<8x128xi32>
      %convert_element_type3A_287 = arith.sitofp %convert_element_type3A_286 : vector<8x128xi32> to vector<8x128xf32>
      %dot_general3A_288 = arith.constant dense<0.000000e+00> : vector<8x1000xf32>
      %dot_general3A_289 = tpu.matmul %convert_element_type3A_287, %convert_element_type3A_212, %dot_general3A_288 {dimension_numbers = #tpu.dot_dimension_numbers<[1], [0], [0], [1], [0, 0, 1, 1], [], []>, transpose_lhs_hint = false} : vector<8x128xf32>, vector<128x1000xf32>, vector<8x1000xf32> -> vector<8x1000xf32>
      %mul3A_290 = arith.constant 6.250000e-02 : f32
      %mul3A_291 = vector.broadcast %mul3A_290 : f32 to vector<8x1000xf32>
      %mul3A_292 = arith.mulf %dot_general3A_289, %mul3A_291 : vector<8x1000xf32>
      %concatenate3A_293 = tpu.concatenate %div3A_251, %mul3A_292 in 0 : vector<8x1000xf32>, vector<8x1000xf32> -> vector<16x1000xf32>
      %dot_general3A_294 = arith.constant dense<0.000000e+00> : vector<16x512xf32>
      %dot_general3A_295 = tpu.matmul %concatenate3A_293, %select_n3A_240, %dot_general3A_294 {dimension_numbers = #tpu.dot_dimension_numbers<[1], [0], [0], [1], [0, 0, 1, 1], [], []>, transpose_lhs_hint = false} : vector<16x1000xf32>, vector<1000x512xf32>, vector<16x512xf32> -> vector<16x512xf32>
      %slice3A_296 = vector.extract_strided_slice %dot_general3A_295 {offsets = [0, 0], sizes = [8, 512], strides = [1, 1]} : vector<16x512xf32> to vector<8x512xf32>
      %slice3A_297 = vector.extract_strided_slice %dot_general3A_295 {offsets = [8, 0], sizes = [8, 512], strides = [1, 1]} : vector<16x512xf32> to vector<8x512xf32>
      %mul3A_298 = arith.constant 7.500000e-01 : f32
      %mul3A_299 = vector.broadcast %mul3A_298 : f32 to vector<8x512xf32>
      %mul3A_300 = arith.mulf %mul3A_299, %slice3A_297 : vector<8x512xf32>
      %mul3A_301 = arith.constant 2.500000e-01 : f32
      %mul3A_302 = vector.broadcast %mul3A_301 : f32 to vector<8x512xf32>
      %mul3A_303 = arith.mulf %mul3A_302, %slice3A_296 : vector<8x512xf32>
      %add3A_304 = arith.addf %mul3A_300, %mul3A_303 : vector<8x512xf32>
      %get3A_305 = arith.constant 0 : index
      %get3A_306 = arith.constant 0 : index
      %get3A_307 = vector.load %arg10[%get3A_305, %get3A_306] : memref<1000x512xf32, #tpu.memory_space<vmem>>, vector<1000x512xf32>
      %mul3A_308 = arith.constant 6.500000e-01 : f32
      %mul3A_309 = vector.broadcast %mul3A_308 : f32 to vector<1000x512xf32>
      %mul3A_310 = arith.mulf %mul3A_309, %get3A_307 : vector<1000x512xf32>
      %slice3A_311 = vector.extract_strided_slice %add3A_304 {offsets = [0, 0], sizes = [1, 512], strides = [1, 1]} : vector<8x512xf32> to vector<1x512xf32>
      %mul3A_312 = arith.constant 3.500000e-01 : f32
      %mul3A_313 = vector.broadcast %mul3A_312 : f32 to vector<1x512xf32>
      %mul3A_314 = arith.mulf %mul3A_313, %slice3A_311 : vector<1x512xf32>
      %add3A_315 = vector.broadcast %mul3A_314 : vector<1x512xf32> to vector<1000x512xf32>
      %add3A_316 = arith.addf %mul3A_310, %add3A_315 : vector<1000x512xf32>
      %mul3A_317 = arith.mulf %add3A_316, %add3A_316 : vector<1000x512xf32>
      %reduce_sum3A_318 = arith.constant dense<0.000000e+00> : vector<1000xf32>
      %reduce_sum3A_319 = vector.multi_reduction <add>, %mul3A_317, %reduce_sum3A_318 [1] : vector<1000x512xf32> to vector<1000xf32>
      %broadcast_in_dim3A_320 = vector.shape_cast %reduce_sum3A_319 : vector<1000xf32> to vector<1000x1xf32>
      %sqrt3A_321 = math.sqrt %broadcast_in_dim3A_320 : vector<1000x1xf32>
      %max3A_322 = arith.constant 9.99999997E-7 : f32
      %max3A_323 = vector.broadcast %max3A_322 : f32 to vector<1000x1xf32>
      %max3A_324 = arith.maximumf %sqrt3A_321, %max3A_323 : vector<1000x1xf32>
      %div3A_325 = vector.broadcast %max3A_324 : vector<1000x1xf32> to vector<1000x512xf32>
      %div3A_326 = arith.divf %add3A_316, %div3A_325 : vector<1000x512xf32>
      %swap3A_327 = arith.constant 0 : index
      %swap3A_328 = arith.constant 0 : index
      %swap3A_329 = arith.constant 0 : index
      %swap3A_330 = vector.load %arg11[%swap3A_327, %swap3A_328, %swap3A_329] : memref<8x1000x512xf32, #tpu.memory_space<vmem>>, vector<1x1000x512xf32>
      %swap3A_331 = vector.shape_cast %swap3A_330 : vector<1x1000x512xf32> to vector<1000x512xf32>
      %swap3A_332 = vector.shape_cast %div3A_326 : vector<1000x512xf32> to vector<1x1000x512xf32>
      tpu.vector_store %arg11[%swap3A_327, %swap3A_328, %swap3A_329], %swap3A_332 {strides = array<i32>} : memref<8x1000x512xf32, #tpu.memory_space<vmem>>, vector<1x1000x512xf32>,
      %slice3A_333 = vector.extract_strided_slice %add3A_304 {offsets = [1, 0], sizes = [1, 512], strides = [1, 1]} : vector<8x512xf32> to vector<1x512xf32>
      %mul3A_334 = arith.constant 3.500000e-01 : f32
      %mul3A_335 = vector.broadcast %mul3A_334 : f32 to vector<1x512xf32>
      %mul3A_336 = arith.mulf %mul3A_335, %slice3A_333 : vector<1x512xf32>
      %add3A_337 = vector.broadcast %mul3A_336 : vector<1x512xf32> to vector<1000x512xf32>
      %add3A_338 = arith.addf %mul3A_310, %add3A_337 : vector<1000x512xf32>
      %mul3A_339 = arith.mulf %add3A_338, %add3A_338 : vector<1000x512xf32>
      %reduce_sum3A_340 = arith.constant dense<0.000000e+00> : vector<1000xf32>
      %reduce_sum3A_341 = vector.multi_reduction <add>, %mul3A_339, %reduce_sum3A_340 [1] : vector<1000x512xf32> to vector<1000xf32>
      %broadcast_in_dim3A_342 = vector.shape_cast %reduce_sum3A_341 : vector<1000xf32> to vector<1000x1xf32>
      %sqrt3A_343 = math.sqrt %broadcast_in_dim3A_342 : vector<1000x1xf32>
      %max3A_344 = arith.constant 9.99999997E-7 : f32
      %max3A_345 = vector.broadcast %max3A_344 : f32 to vector<1000x1xf32>
      %max3A_346 = arith.maximumf %sqrt3A_343, %max3A_345 : vector<1000x1xf32>
      %div3A_347 = vector.broadcast %max3A_346 : vector<1000x1xf32> to vector<1000x512xf32>
      %div3A_348 = arith.divf %add3A_338, %div3A_347 : vector<1000x512xf32>
      %swap3A_349 = arith.constant 1 : index
      %swap3A_350 = arith.constant 0 : index
      %swap3A_351 = arith.constant 0 : index
      %swap3A_352 = vector.load %arg11[%swap3A_349, %swap3A_350, %swap3A_351] : memref<8x1000x512xf32, #tpu.memory_space<vmem>>, vector<1x1000x512xf32>
      %swap3A_353 = vector.shape_cast %swap3A_352 : vector<1x1000x512xf32> to vector<1000x512xf32>
      %swap3A_354 = vector.shape_cast %div3A_348 : vector<1000x512xf32> to vector<1x1000x512xf32>
      tpu.vector_store %arg11[%swap3A_349, %swap3A_350, %swap3A_351], %swap3A_354 {strides = array<i32>} : memref<8x1000x512xf32, #tpu.memory_space<vmem>>, vector<1x1000x512xf32>,
      %slice3A_355 = vector.extract_strided_slice %add3A_304 {offsets = [2, 0], sizes = [1, 512], strides = [1, 1]} : vector<8x512xf32> to vector<1x512xf32>
      %mul3A_356 = arith.constant 3.500000e-01 : f32
      %mul3A_357 = vector.broadcast %mul3A_356 : f32 to vector<1x512xf32>
      %mul3A_358 = arith.mulf %mul3A_357, %slice3A_355 : vector<1x512xf32>
      %add3A_359 = vector.broadcast %mul3A_358 : vector<1x512xf32> to vector<1000x512xf32>
      %add3A_360 = arith.addf %mul3A_310, %add3A_359 : vector<1000x512xf32>
      %mul3A_361 = arith.mulf %add3A_360, %add3A_360 : vector<1000x512xf32>
      %reduce_sum3A_362 = arith.constant dense<0.000000e+00> : vector<1000xf32>
      %reduce_sum3A_363 = vector.multi_reduction <add>, %mul3A_361, %reduce_sum3A_362 [1] : vector<1000x512xf32> to vector<1000xf32>
      %broadcast_in_dim3A_364 = vector.shape_cast %reduce_sum3A_363 : vector<1000xf32> to vector<1000x1xf32>
      %sqrt3A_365 = math.sqrt %broadcast_in_dim3A_364 : vector<1000x1xf32>
      %max3A_366 = arith.constant 9.99999997E-7 : f32
      %max3A_367 = vector.broadcast %max3A_366 : f32 to vector<1000x1xf32>
      %max3A_368 = arith.maximumf %sqrt3A_365, %max3A_367 : vector<1000x1xf32>
      %div3A_369 = vector.broadcast %max3A_368 : vector<1000x1xf32> to vector<1000x512xf32>
      %div3A_370 = arith.divf %add3A_360, %div3A_369 : vector<1000x512xf32>
      %swap3A_371 = arith.constant 2 : index
      %swap3A_372 = arith.constant 0 : index
      %swap3A_373 = arith.constant 0 : index
      %swap3A_374 = vector.load %arg11[%swap3A_371, %swap3A_372, %swap3A_373] : memref<8x1000x512xf32, #tpu.memory_space<vmem>>, vector<1x1000x512xf32>
      %swap3A_375 = vector.shape_cast %swap3A_374 : vector<1x1000x512xf32> to vector<1000x512xf32>
      %swap3A_376 = vector.shape_cast %div3A_370 : vector<1000x512xf32> to vector<1x1000x512xf32>
      tpu.vector_store %arg11[%swap3A_371, %swap3A_372, %swap3A_373], %swap3A_376 {strides = array<i32>} : memref<8x1000x512xf32, #tpu.memory_space<vmem>>, vector<1x1000x512xf32>,
      %slice3A_377 = vector.extract_strided_slice %add3A_304 {offsets = [3, 0], sizes = [1, 512], strides = [1, 1]} : vector<8x512xf32> to vector<1x512xf32>
      %mul3A_378 = arith.constant 3.500000e-01 : f32
      %mul3A_379 = vector.broadcast %mul3A_378 : f32 to vector<1x512xf32>
      %mul3A_380 = arith.mulf %mul3A_379, %slice3A_377 : vector<1x512xf32>
      %add3A_381 = vector.broadcast %mul3A_380 : vector<1x512xf32> to vector<1000x512xf32>
      %add3A_382 = arith.addf %mul3A_310, %add3A_381 : vector<1000x512xf32>
      %mul3A_383 = arith.mulf %add3A_382, %add3A_382 : vector<1000x512xf32>
      %reduce_sum3A_384 = arith.constant dense<0.000000e+00> : vector<1000xf32>
      %reduce_sum3A_385 = vector.multi_reduction <add>, %mul3A_383, %reduce_sum3A_384 [1] : vector<1000x512xf32> to vector<1000xf32>
      %broadcast_in_dim3A_386 = vector.shape_cast %reduce_sum3A_385 : vector<1000xf32> to vector<1000x1xf32>
      %sqrt3A_387 = math.sqrt %broadcast_in_dim3A_386 : vector<1000x1xf32>
      %max3A_388 = arith.constant 9.99999997E-7 : f32
      %max3A_389 = vector.broadcast %max3A_388 : f32 to vector<1000x1xf32>
      %max3A_390 = arith.maximumf %sqrt3A_387, %max3A_389 : vector<1000x1xf32>
      %div3A_391 = vector.broadcast %max3A_390 : vector<1000x1xf32> to vector<1000x512xf32>
      %div3A_392 = arith.divf %add3A_382, %div3A_391 : vector<1000x512xf32>
      %swap3A_393 = arith.constant 3 : index
      %swap3A_394 = arith.constant 0 : index
      %swap3A_395 = arith.constant 0 : index
      %swap3A_396 = vector.load %arg11[%swap3A_393, %swap3A_394, %swap3A_395] : memref<8x1000x512xf32, #tpu.memory_space<vmem>>, vector<1x1000x512xf32>
      %swap3A_397 = vector.shape_cast %swap3A_396 : vector<1x1000x512xf32> to vector<1000x512xf32>
      %swap3A_398 = vector.shape_cast %div3A_392 : vector<1000x512xf32> to vector<1x1000x512xf32>
      tpu.vector_store %arg11[%swap3A_393, %swap3A_394, %swap3A_395], %swap3A_398 {strides = array<i32>} : memref<8x1000x512xf32, #tpu.memory_space<vmem>>, vector<1x1000x512xf32>,
      %slice3A_399 = vector.extract_strided_slice %add3A_304 {offsets = [4, 0], sizes = [1, 512], strides = [1, 1]} : vector<8x512xf32> to vector<1x512xf32>
      %mul3A_400 = arith.constant 3.500000e-01 : f32
      %mul3A_401 = vector.broadcast %mul3A_400 : f32 to vector<1x512xf32>
      %mul3A_402 = arith.mulf %mul3A_401, %slice3A_399 : vector<1x512xf32>
      %add3A_403 = vector.broadcast %mul3A_402 : vector<1x512xf32> to vector<1000x512xf32>
      %add3A_404 = arith.addf %mul3A_310, %add3A_403 : vector<1000x512xf32>
      %mul3A_405 = arith.mulf %add3A_404, %add3A_404 : vector<1000x512xf32>
      %reduce_sum3A_406 = arith.constant dense<0.000000e+00> : vector<1000xf32>
      %reduce_sum3A_407 = vector.multi_reduction <add>, %mul3A_405, %reduce_sum3A_406 [1] : vector<1000x512xf32> to vector<1000xf32>
      %broadcast_in_dim3A_408 = vector.shape_cast %reduce_sum3A_407 : vector<1000xf32> to vector<1000x1xf32>
      %sqrt3A_409 = math.sqrt %broadcast_in_dim3A_408 : vector<1000x1xf32>
      %max3A_410 = arith.constant 9.99999997E-7 : f32
      %max3A_411 = vector.broadcast %max3A_410 : f32 to vector<1000x1xf32>
      %max3A_412 = arith.maximumf %sqrt3A_409, %max3A_411 : vector<1000x1xf32>
      %div3A_413 = vector.broadcast %max3A_412 : vector<1000x1xf32> to vector<1000x512xf32>
      %div3A_414 = arith.divf %add3A_404, %div3A_413 : vector<1000x512xf32>
      %swap3A_415 = arith.constant 4 : index
      %swap3A_416 = arith.constant 0 : index
      %swap3A_417 = arith.constant 0 : index
      %swap3A_418 = vector.load %arg11[%swap3A_415, %swap3A_416, %swap3A_417] : memref<8x1000x512xf32, #tpu.memory_space<vmem>>, vector<1x1000x512xf32>
      %swap3A_419 = vector.shape_cast %swap3A_418 : vector<1x1000x512xf32> to vector<1000x512xf32>
      %swap3A_420 = vector.shape_cast %div3A_414 : vector<1000x512xf32> to vector<1x1000x512xf32>
      tpu.vector_store %arg11[%swap3A_415, %swap3A_416, %swap3A_417], %swap3A_420 {strides = array<i32>} : memref<8x1000x512xf32, #tpu.memory_space<vmem>>, vector<1x1000x512xf32>,
      %slice3A_421 = vector.extract_strided_slice %add3A_304 {offsets = [5, 0], sizes = [1, 512], strides = [1, 1]} : vector<8x512xf32> to vector<1x512xf32>
      %mul3A_422 = arith.constant 3.500000e-01 : f32
      %mul3A_423 = vector.broadcast %mul3A_422 : f32 to vector<1x512xf32>
      %mul3A_424 = arith.mulf %mul3A_423, %slice3A_421 : vector<1x512xf32>
      %add3A_425 = vector.broadcast %mul3A_424 : vector<1x512xf32> to vector<1000x512xf32>
      %add3A_426 = arith.addf %mul3A_310, %add3A_425 : vector<1000x512xf32>
      %mul3A_427 = arith.mulf %add3A_426, %add3A_426 : vector<1000x512xf32>
      %reduce_sum3A_428 = arith.constant dense<0.000000e+00> : vector<1000xf32>
      %reduce_sum3A_429 = vector.multi_reduction <add>, %mul3A_427, %reduce_sum3A_428 [1] : vector<1000x512xf32> to vector<1000xf32>
      %broadcast_in_dim3A_430 = vector.shape_cast %reduce_sum3A_429 : vector<1000xf32> to vector<1000x1xf32>
      %sqrt3A_431 = math.sqrt %broadcast_in_dim3A_430 : vector<1000x1xf32>
      %max3A_432 = arith.constant 9.99999997E-7 : f32
      %max3A_433 = vector.broadcast %max3A_432 : f32 to vector<1000x1xf32>
      %max3A_434 = arith.maximumf %sqrt3A_431, %max3A_433 : vector<1000x1xf32>
      %div3A_435 = vector.broadcast %max3A_434 : vector<1000x1xf32> to vector<1000x512xf32>
      %div3A_436 = arith.divf %add3A_426, %div3A_435 : vector<1000x512xf32>
      %swap3A_437 = arith.constant 5 : index
      %swap3A_438 = arith.constant 0 : index
      %swap3A_439 = arith.constant 0 : index
      %swap3A_440 = vector.load %arg11[%swap3A_437, %swap3A_438, %swap3A_439] : memref<8x1000x512xf32, #tpu.memory_space<vmem>>, vector<1x1000x512xf32>
      %swap3A_441 = vector.shape_cast %swap3A_440 : vector<1x1000x512xf32> to vector<1000x512xf32>
      %swap3A_442 = vector.shape_cast %div3A_436 : vector<1000x512xf32> to vector<1x1000x512xf32>
      tpu.vector_store %arg11[%swap3A_437, %swap3A_438, %swap3A_439], %swap3A_442 {strides = array<i32>} : memref<8x1000x512xf32, #tpu.memory_space<vmem>>, vector<1x1000x512xf32>,
      %slice3A_443 = vector.extract_strided_slice %add3A_304 {offsets = [6, 0], sizes = [1, 512], strides = [1, 1]} : vector<8x512xf32> to vector<1x512xf32>
      %mul3A_444 = arith.constant 3.500000e-01 : f32
      %mul3A_445 = vector.broadcast %mul3A_444 : f32 to vector<1x512xf32>
      %mul3A_446 = arith.mulf %mul3A_445, %slice3A_443 : vector<1x512xf32>
      %add3A_447 = vector.broadcast %mul3A_446 : vector<1x512xf32> to vector<1000x512xf32>
      %add3A_448 = arith.addf %mul3A_310, %add3A_447 : vector<1000x512xf32>
      %mul3A_449 = arith.mulf %add3A_448, %add3A_448 : vector<1000x512xf32>
      %reduce_sum3A_450 = arith.constant dense<0.000000e+00> : vector<1000xf32>
      %reduce_sum3A_451 = vector.multi_reduction <add>, %mul3A_449, %reduce_sum3A_450 [1] : vector<1000x512xf32> to vector<1000xf32>
      %broadcast_in_dim3A_452 = vector.shape_cast %reduce_sum3A_451 : vector<1000xf32> to vector<1000x1xf32>
      %sqrt3A_453 = math.sqrt %broadcast_in_dim3A_452 : vector<1000x1xf32>
      %max3A_454 = arith.constant 9.99999997E-7 : f32
      %max3A_455 = vector.broadcast %max3A_454 : f32 to vector<1000x1xf32>
      %max3A_456 = arith.maximumf %sqrt3A_453, %max3A_455 : vector<1000x1xf32>
      %div3A_457 = vector.broadcast %max3A_456 : vector<1000x1xf32> to vector<1000x512xf32>
      %div3A_458 = arith.divf %add3A_448, %div3A_457 : vector<1000x512xf32>
      %swap3A_459 = arith.constant 6 : index
      %swap3A_460 = arith.constant 0 : index
      %swap3A_461 = arith.constant 0 : index
      %swap3A_462 = vector.load %arg11[%swap3A_459, %swap3A_460, %swap3A_461] : memref<8x1000x512xf32, #tpu.memory_space<vmem>>, vector<1x1000x512xf32>
      %swap3A_463 = vector.shape_cast %swap3A_462 : vector<1x1000x512xf32> to vector<1000x512xf32>
      %swap3A_464 = vector.shape_cast %div3A_458 : vector<1000x512xf32> to vector<1x1000x512xf32>
      tpu.vector_store %arg11[%swap3A_459, %swap3A_460, %swap3A_461], %swap3A_464 {strides = array<i32>} : memref<8x1000x512xf32, #tpu.memory_space<vmem>>, vector<1x1000x512xf32>,
      %slice3A_465 = vector.extract_strided_slice %add3A_304 {offsets = [7, 0], sizes = [1, 512], strides = [1, 1]} : vector<8x512xf32> to vector<1x512xf32>
      %mul3A_466 = arith.constant 3.500000e-01 : f32
      %mul3A_467 = vector.broadcast %mul3A_466 : f32 to vector<1x512xf32>
      %mul3A_468 = arith.mulf %mul3A_467, %slice3A_465 : vector<1x512xf32>
      %add3A_469 = vector.broadcast %mul3A_468 : vector<1x512xf32> to vector<1000x512xf32>
      %add3A_470 = arith.addf %mul3A_310, %add3A_469 : vector<1000x512xf32>
      %mul3A_471 = arith.mulf %add3A_470, %add3A_470 : vector<1000x512xf32>
      %reduce_sum3A_472 = arith.constant dense<0.000000e+00> : vector<1000xf32>
      %reduce_sum3A_473 = vector.multi_reduction <add>, %mul3A_471, %reduce_sum3A_472 [1] : vector<1000x512xf32> to vector<1000xf32>
      %broadcast_in_dim3A_474 = vector.shape_cast %reduce_sum3A_473 : vector<1000xf32> to vector<1000x1xf32>
      %sqrt3A_475 = math.sqrt %broadcast_in_dim3A_474 : vector<1000x1xf32>
      %max3A_476 = arith.constant 9.99999997E-7 : f32
      %max3A_477 = vector.broadcast %max3A_476 : f32 to vector<1000x1xf32>
      %max3A_478 = arith.maximumf %sqrt3A_475, %max3A_477 : vector<1000x1xf32>
      %div3A_479 = vector.broadcast %max3A_478 : vector<1000x1xf32> to vector<1000x512xf32>
      %div3A_480 = arith.divf %add3A_470, %div3A_479 : vector<1000x512xf32>
      %swap3A_481 = arith.constant 7 : index
      %swap3A_482 = arith.constant 0 : index
      %swap3A_483 = arith.constant 0 : index
      %swap3A_484 = vector.load %arg11[%swap3A_481, %swap3A_482, %swap3A_483] : memref<8x1000x512xf32, #tpu.memory_space<vmem>>, vector<1x1000x512xf32>
      %swap3A_485 = vector.shape_cast %swap3A_484 : vector<1x1000x512xf32> to vector<1000x512xf32>
      %swap3A_486 = vector.shape_cast %div3A_480 : vector<1000x512xf32> to vector<1x1000x512xf32>
      tpu.vector_store %arg11[%swap3A_481, %swap3A_482, %swap3A_483], %swap3A_486 {strides = array<i32>} : memref<8x1000x512xf32, #tpu.memory_space<vmem>>, vector<1x1000x512xf32>,
    } else {
    }
    return
  }
  func.func @transform_0(%arg0: i32) -> (i32, i32, i32) {
    %c0_i32 = arith.constant 0 : i32
    %c0_i32_0 = arith.constant 0 : i32
    %c0_i32_1 = arith.constant 0 : i32
    return %arg0, %c0_i32, %c0_i32_0 : i32, i32, i32
  }
  func.func @transform_1(%arg0: i32) -> (i32, i32, i32) {
    %c0_i32 = arith.constant 0 : i32
    %c0_i32_0 = arith.constant 0 : i32
    %c0_i32_1 = arith.constant 0 : i32
    return %arg0, %c0_i32, %c0_i32_0 : i32, i32, i32
  }
  func.func @transform_2(%arg0: i32) -> (i32, i32, i32) {
    %c0_i32 = arith.constant 0 : i32
    %c0_i32_0 = arith.constant 0 : i32
    %c0_i32_1 = arith.constant 0 : i32
    return %arg0, %c0_i32, %c0_i32_0 : i32, i32, i32
  }
  func.func @transform_3(%arg0: i32) -> (i32, i32) {
    %c0_i32 = arith.constant 0 : i32
    %c0_i32_0 = arith.constant 0 : i32
    %c0_i32_1 = arith.constant 0 : i32
    return %c0_i32, %c0_i32_0 : i32, i32
  }
  func.func @transform_4(%arg0: i32) -> (i32, i32) {
    %c0_i32 = arith.constant 0 : i32
    %c0_i32_0 = arith.constant 0 : i32
    %c0_i32_1 = arith.constant 0 : i32
    return %c0_i32, %c0_i32_0 : i32, i32
  }
  func.func @transform_5(%arg0: i32) -> (i32, i32) {
    %c0_i32 = arith.constant 0 : i32
    %c0_i32_0 = arith.constant 0 : i32
    %c0_i32_1 = arith.constant 0 : i32
    return %c0_i32, %c0_i32_0 : i32, i32
  }
  func.func @transform_6(%arg0: i32) -> (i32, i32) {
    %c0_i32 = arith.constant 0 : i32
    %c0_i32_0 = arith.constant 0 : i32
    %c0_i32_1 = arith.constant 0 : i32
    return %c0_i32, %c0_i32_0 : i32, i32
  }
  func.func @transform_7(%arg0: i32) -> (i32, i32) {
    %c0_i32 = arith.constant 0 : i32
    %c0_i32_0 = arith.constant 0 : i32
    %c0_i32_1 = arith.constant 0 : i32
    return %c0_i32, %c0_i32_0 : i32, i32
  }
  func.func @transform_8(%arg0: i32) -> (i32, i32) {
    %c0_i32 = arith.constant 0 : i32
    %c0_i32_0 = arith.constant 0 : i32
    %c0_i32_1 = arith.constant 0 : i32
    return %c0_i32, %c0_i32_0 : i32, i32
  }
  func.func @transform_9(%arg0: i32) -> (i32, i32) {
    %c0_i32 = arith.constant 0 : i32
    %c0_i32_0 = arith.constant 0 : i32
    %c0_i32_1 = arith.constant 0 : i32
    return %c0_i32, %c0_i32_0 : i32, i32
  }
  func.func @transform_10(%arg0: i32) -> (i32, i32, i32) {
    %c0_i32 = arith.constant 0 : i32
    %c0_i32_0 = arith.constant 0 : i32
    %c0_i32_1 = arith.constant 0 : i32
    %c0_i32_2 = arith.constant 0 : i32
    return %c0_i32, %c0_i32_0, %c0_i32_1 : i32, i32, i32
  }
}

</mosaic_0001>

<sc_bundles>
// kernel: kernel.4.cloned.1.call-start
scs
__scs_entry_jumppad:
0x0: {  	(pc) =	sbr.rel $0x88, $3  }
0x1: {  	(tag) =	ssettag $0x0;
	lr =	simm.s32 $0x1  }
0x2: {  	[smem:$0x3F98] =	sst lr;
	_ =	strace $0xD0000000  }
0x3: {  	_ = 	snop  }
0x4: {  	_ = 	snop  }
0x5: {  	_ = 	snop  }
0x6: {  	_ = 	snop  }
0x7: {  	_ = 	snop  }
__scs_overlays_trampoline_lowered:
0x8: {  	[smem:$0x3FA7] =	sst s0  }
0x9: {  	[smem:$0x3FA8] =	sst s1  }
0xa: {  	[smem:$0x3FA9] =	sst s2  }
0xb: {  	[smem:$0x3FAA] =	sst s3  }
0xc: {  	[smem:$0x3FAB] =	sst s4  }
0xd: {  	[smem:$0x3FAC] =	sst s5  }
0xe: {  	[smem:$0x3FAD] =	sst s6  }
0xf: {  	[smem:$0x3FAE] =	sst s7  }
0x10: {  	[smem:$0x3FAF] =	sst s8  }
0x11: {  	[smem:$0x3FB0] =	sst s9;
	s0 =	simm.s32 @!p0 $0x0  }
0x12: {  	s1 =	sld [smem:$0x3F96];
	s0 =	simm.s32 @p0 $0x1  }
0x13: {  	[smem:$0x3FB1] =	sst s0;
	s0 =	simm.s32 @!p1 $0x0  }
0x14: {  	s2 =	sld [smem:$0x3F95];
	s0 =	simm.s32 @p1 $0x1  }
0x15: {  	[smem:$0x3FB2] =	sst s0;
	s0 =	simm.s32 @!p2 $0x0  }
0x16: {  	s3 =	sld [smem:$0x3FDB];
	s0 =	simm.s32 @p2 $0x1  }
0x17: {  	s4 =	simm.s32 $0x1BF5;
	[smem:$0x3FB4] =	sst s0  }
0x18: {  	s0 =	sld [smem:$0x3F97];
	_ =	swait.ge [sflag:s4], $0x0  }
0x19: {  	s7 =	sld [smem:$0x3F98]  }
0x1a: {  	s8 =	sadd.s32 $0xFFFFE003, lr  }
0x1b: {  	s9 =	sadd.s32 $0xFFFFFEF7, lr;
	s5 =	simm.s32 $0xFFFFFFFF;
	p2 =	slt.u32 s8, $0xFFFFF086  }
0x1c: {  	p1 =	slt.u32 s9, $0xF7A;
	s5 =	simm.s32 @!p2 $0x0  }
0x1d: {  	s5 =	simm.s32 @p1 $0x1;
	p0 =	seq.s32 s7, s2  }
0x1e: {  	s7 =	smul.u32 @!p0 $0xF7A, s2;
	p2 =	seq.s32 @!p0 s5, $0x0  }
0x1f: {  	s9 =	smul.u32 $0xF7A, s1;
	s8 =	simm.s32 @!p0 $0x1BF5;
	p2 =	por !p2, p0  }
0x20: {  	[sflag:s8] =	ssyncset.s32 @!p0 $0xFFFFF086;
	s6 =	sadd.s32 @!p0 s3, s7;
	s7 =	simm.s32 @!p0 $0x108  }
0x21: {  	s3 =	sadd.s32 s3, s9;
	s6 =	sadd.s32 @!p0 $0x88, s6;
	s7 =	simm.s32 @p2 $0x1082  }
0x22: {  	[simem:s7], [sflag:s8] =	dma.local @!p0 [hbm:s6], $0xF7A  }
0x23: {  	s9 =	sor.u32 $0xD0000000, s2;
	s6 =	simm.s32 $0x108;
	_ =	swait.ge @!p0 [sflag:s8], $0x0  }
0x24: {  	s3 =	sadd.s32 $0x88, s3;
	s6 =	simm.s32 @!p1 $0x1082;
	[sflag:s4] =	ssyncset.s32 $0xFFFFF086  }
0x25: {  	[simem:s6], [sflag:s4] =	dma.local [hbm:s3], $0xF7A  }
0x26: {  	[smem:$0x3F98] =	sst s1;
	(tag) =	ssettag s2;
	_ =	strace s9  }
0x27: {  	s1 =	sld [smem:$0x3FA8]  }
0x28: {  	s2 =	sld [smem:$0x3FA9]  }
0x29: {  	s4 =	sld [smem:$0x3FAB]  }
0x2a: {  	p0 =	seq.s32 s5, $0x0;
	s5 =	sld [smem:$0x3FAC]  }
0x2b: {  	s6 =	sld [smem:$0x3FAD]  }
0x2c: {  	s7 =	sld [smem:$0x3FAE]  }
0x2d: {  	s3 =	simm.s32 $0x108;
	s8 =	sld [smem:$0x3FAF]  }
0x2e: {  	s3 =	simm.s32 @!p0 $0x1082;
	s9 =	sld [smem:$0x3FB0]  }
0x2f: {  	lr =	sadd.s32 s0, s3;
	s0 =	sld [smem:$0x3FA7]  }
0x30: {  	s3 =	sld [smem:$0x3FAA]  }
0x31: {  	[smem:$0x3FB3] =	sst s10  }
0x32: {  	s10 =	sld [smem:$0x3FB1];
	_ =	sdelay $0x3  }
0x33: {  	p0 =	seq.s32 s10, $0x1;
	s10 =	sld [smem:$0x3FB3];
	_ =	sdelay $0x3  }
0x34: {  	[smem:$0x3FB3] =	sst s10  }
0x35: {  	s10 =	sld [smem:$0x3FB2];
	_ =	sdelay $0x3  }
0x36: {  	p1 =	seq.s32 s10, $0x1;
	s10 =	sld [smem:$0x3FB3];
	_ =	sdelay $0x3  }
0x37: {  	[smem:$0x3FB3] =	sst s10  }
0x38: {  	s10 =	sld [smem:$0x3FB4]  }
0x39: {  	_ = 	snop;
	(pc) =	sbr.ind lr, $3  }
0x3a: {  	_ = 	snop  }
0x3b: {  	_ = 	snop  }
0x3c: {  	p2 =	seq.s32 s10, $0x1;
	s10 =	sld [smem:$0x3FB3]  }
0x3d: {  	_ =	shalt  }
0x3e: {  	_ =	shalt  }
0x3f: {  	_ =	shalt  }
0x40: {  	_ =	shalt  }
0x41: {  	_ =	shalt  }
0x42: {  	_ =	shalt  }
0x43: {  	_ =	shalt  }
0x44: {  	_ =	shalt  }
0x45: {  	_ =	shalt  }
0x46: {  	_ =	shalt  }
0x47: {  	_ =	shalt  }
0x48: {  	_ =	shalt  }
0x49: {  	_ =	shalt  }
0x4a: {  	_ =	shalt  }
0x4b: {  	_ =	shalt  }
0x4c: {  	_ =	shalt  }
0x4d: {  	_ =	shalt  }
0x4e: {  	_ =	shalt  }
0x4f: {  	_ =	shalt  }
0x50: {  	_ =	shalt  }
0x51: {  	_ =	shalt  }
0x52: {  	_ =	shalt  }
0x53: {  	_ =	shalt  }
0x54: {  	_ =	shalt  }
0x55: {  	_ =	shalt  }
0x56: {  	_ =	shalt  }
0x57: {  	_ =	shalt  }
0x58: {  	_ =	shalt  }
0x59: {  	_ =	shalt  }
0x5a: {  	_ =	shalt  }
0x5b: {  	_ =	shalt  }
0x5c: {  	_ =	shalt  }
0x5d: {  	_ =	shalt  }
0x5e: {  	_ =	shalt  }
0x5f: {  	_ =	shalt  }
0x60: {  	_ =	shalt  }
0x61: {  	_ =	shalt  }
0x62: {  	_ =	shalt  }
0x63: {  	_ =	shalt  }
0x64: {  	_ =	shalt  }
0x65: {  	_ =	shalt  }
0x66: {  	_ =	shalt  }
0x67: {  	_ =	shalt  }
0x68: {  	_ =	shalt  }
0x69: {  	_ =	shalt  }
0x6a: {  	_ =	shalt  }
0x6b: {  	_ =	shalt  }
0x6c: {  	_ =	shalt  }
0x6d: {  	_ =	shalt  }
0x6e: {  	_ =	shalt  }
0x6f: {  	_ =	shalt  }
0x70: {  	_ =	shalt  }
0x71: {  	_ =	shalt  }
0x72: {  	_ =	shalt  }
0x73: {  	_ =	shalt  }
0x74: {  	_ =	shalt  }
0x75: {  	_ =	shalt  }
0x76: {  	_ =	shalt  }
0x77: {  	_ =	shalt  }
0x78: {  	_ =	shalt  }
0x79: {  	_ =	shalt  }
0x7a: {  	_ =	shalt  }
0x7b: {  	_ =	shalt  }
0x7c: {  	_ =	shalt  }
0x7d: {  	_ =	shalt  }
0x7e: {  	_ =	shalt  }
0x7f: {  	_ =	shalt  }
0x80: {  	_ =	shalt  }
0x81: {  	_ =	shalt  }
0x82: {  	_ =	shalt  }
0x83: {  	_ =	shalt  }
0x84: {  	_ =	shalt  }
0x85: {  	_ =	shalt  }
0x86: {  	_ =	shalt  }
0x87: {  	_ =	shalt  }
.Lfunc_end0:
.L_simem_size_0:
called_computation_lowered:
.L_overlay_start_0:
0x88: {  	s0 =	sld [smem:$0x3FD9]  }
0x89: {  	s1 =	sld [smem:$0x3FFE];
	_ =	sdelay $0x3  }
0x8a: {  	s0 =	sadd.s32 s1, s0  }
0x8b: {  	[smem:$0x3FBF] =	sst s0  }
0x8c: {  	_ = 	snop  }
0x8d: {  	s0 =	sld [smem:$0x3FD0];
	(tm) =	ssettm $0x1  }
0x8e: {  	s16 =	sld [smem:$0x3FFB];
	_ =	sdelay $0x3  }
0x8f: {  	_ =	strace s16  }
0x90: {  	s1 =	sld [smem:$0x3FFC];
	_ =	sdelay $0x3  }
0x91: {  	_ =	strace s1  }
0x92: {  	s1 =	sld [smem:$0x3FFD];
	_ =	sdelay $0x3  }
0x93: {  	_ =	strace s1  }
0x94: {  	_ =	strace $0x8FFFFFFF  }
0x95: {  	s17 =	sld [smem:$0x3FDB];
	_ =	sdelay $0x1  }
0x96: {  	s2 =	simm.s32 $_scs_section_size  }
0x97: {  	s3 =	simm.s32 $_size__tile_overlayer_lowered;
	s4 =	simm.s32 $_tile_overlayer_lowered  }
0x98: {  	s20 =	simm.s32 $0x1BFF;
	s19 =	sshll.u32 s4, $0x1;
	s1 =	sadd.s32 s2, s17  }
0x99: {  	s5 =	simm.s32 $0x0;
	s18 =	sshll.u32 s3, $0x1;
	s3 =	sadd.s32 s19, s1  }
0x9a: {  	[timem:s5], [sflag:s20] =	dma.local [hbm:s3], s18  }
0x9b: {  	_ =	swait.ge [sflag:s20], s18  }
0x9c: {  	s2 =	ssub.s32 $0x0, s18;
	[sflag:s20] =	ssyncset.done $0x0  }
0x9d: {  	[sflag:s20] =	ssyncadd.s32 s2;
	_ =	sdelay $0x1  }
0x9e: {  	s21 =	simm.s32 $0x1B8B  }
0x9f: {  	_ =	swait.ge [sflag:s21], $0x1  }
0xa0: {  	[sflag:s21] =	ssyncset.done $0x0  }
0xa1: {  	s23 =	simm.s32 $0x1B8E;
	s22 =	sld [smem:$0x3FFE];
	[sflag:s21] =	ssyncadd.s32 $0xFFFFFFFF  }
0xa2: {  	s24 =	simm.s32 $execute0_lowered;
	[smem:$0x3FD2] =	sst s23  }
0xa3: {  	s3 =	sshll.u32 s24, $0x1;
	_ =	strace $0x80000046;
	[dreg:$0x1] =	wrdreg $0xFFFFFFFF  }
0xa4: {  	s25 =	simm.s32 $_size_execute0_lowered;
	s1 =	sadd.s32 s1, s3;
	[dreg:$0x0] =	wrdreg $0x0  }
0xa5: {  	s3 =	sshll.u32 s25, $0x1;
	[dreg:$0x2] =	wrdreg s1  }
0xa6: {  	[dreg:$0x3] =	wrdreg s3  }
0xa7: {  	[dreg:$0x4] =	wrdreg $0xC0  }
0xa8: {  	_ =	task [dreg:s5], $0x5FFFF  }
0xa9: {  	[dreg:$0x1] =	wrdreg $0xFFFFFFFF  }
0xaa: {  	[dreg:$0x0] =	wrdreg $0x60  }
0xab: {  	[dreg:$0x2] =	wrdreg s22  }
0xac: {  	[dreg:$0x3] =	wrdreg s0  }
0xad: {  	[dreg:$0x4] =	wrdreg $0x9  }
0xae: {  	_ =	task.clear_ibuf [dreg:s5], $0x5FFFF;
	_ =	strace $0x90000046  }
0xaf: {  	s26 =	simm.s32 $0x9;
	_ =	strace $0x80000048  }
0xb0: {  	_ =	swait.ge [sflag:s26], $0x1  }
0xb1: {  	[sflag:s26] =	ssyncadd.s32 $0xFFFFFFFF  }
0xb2: {  	_ =	strace $0x90000048  }
0xb3: {  	_ =	sfence  }
0xb4: {  	s28 =	sld [smem:$0x0];
	_ =	sdelay $0x1  }
0xb5: {  	s29 =	srdreg.scid  }
0xb6: {  	s30 =	sshll.u32 s29, $0xD;
	s31 =	sshrl.u32 s29, $0x2  }
0xb7: {  	s2 =	sand.u32 $0x4000, s30;
	s1 =	sand.u32 $0x1, s29;
	s0 =	sadd.s32 s31, s28  }
0xb8: {  	s1 =	sor.u32 s2, s1;
	s0 =	sshll.u32 s0, $0x11  }
0xb9: {  	s0 =	sor.u32 s0, s1  }
0xba: {  	s0 =	sadd.s32 $0x8F2B, s0  }
0xbb: {  	[sflag:s0] =	ssyncadd.remote.s32 $0x1  }
0xbc: {  	_ =	sfence.sel $0xFFFF  }
0xbd: {  	[dreg:$0x0] =	wrdreg $0xFFFFFFFF;
	(pc) =	sbr.abs _section_cstart, $3  }
0xbe: {  	[dreg:$0x1] =	wrdreg $0xFFFFFFFF  }
0xbf: {  	_ =	task.clear_ibuf [dreg:s5], $0x2FFFF;
	_ =	strace $0x9FFFFFFF  }
0xc0: {  	(tm) =	ssettm $0x7FFFFFFF  }
0xc1: {  	_ =	shalt  }
tec
execute0_lowered:
.L_overlay_start_1:
0x0: {  	(tag) =	ssettag $0x1  }
0x1: {  	s1 =	rddreg [dreg:$0x0]  }
0x2: {  	s2 =	rddreg [dreg:$0x1]  }
0x3: {  	s0 =	rddreg [dreg:$0x2];
	s3 =	simm.s32 $0x0  }
0x4: {  	[smem:$0x7FF] =	sst s3  }
0x5: {  	s31 =	simm.s32 $0x1;
	s1 =	sadd.s32 $0x1000, s1;
	_ =	strace $0x80000047  }
0x6: {  	[tilespmem:s3], [sflag:$0x1] =	stream.linear.gather [hbm4b:s1+s3], $0x80, $0x38;
	[tilespmem:$0x2080] =	vst v63  }
0x7: {  	_ =	swait.ge [sflag:s31], $0x80  }
0x8: {  	s4 =	simm.s32 $0x0;
	[sflag:s31] =	ssyncset.done $0x0  }
0x9: {  	v0 =	vimm.f32 $0.0e+00;
	s1 =	stileid.u32;
	s3 =	simm.s32 $0x200;
	[sflag:s31] =	ssyncadd.s32 $0xFFFFFF80  }
.LBB2_1:
0xa: {  	p0 =	sne.s32 s3, $0x7E00;
	[tilespmem:s4+$0x80] =	vst v0;
	s4 =	smov.u32 s3;
	s3 =	sadd.s32 $0x200, s3  }
.Ltmp0:
0xb: {  	(pc) =	sbr.rel @p0 .LBB2_1-.Ltmp0, $2  }
0xc: {  	_ =	sdelay $0x2  }
0xd: {  	s4 =	sshra.s32 s4, $0x2  }
0xe: {  	[tilespmem:s4+$0x80] =	vst v0;
	s3 =	simm.s32 $0x0  }
0xf: {  	v0 =	vld [tilespmem:s3+$0x0];
	_ =	sdelay $0x4  }
0x10: {  	(v2sf) =	vpush v0, $0x0;
	_ =	sdelay $0x7  }
0x11: {  	(v2sf) =	vpush v0, $0x1;
	_ =	sdelay $0x5  }
0x12: {  	s15 =	sshll.u32 s1, $0x6  }
0x13: {  	s3 =	smin.u32 s15, $0x3A8;
	s16 =	spop (v2sf)  }
0x14: {  	(v2sf) =	vpush v0, $0x2;
	s4 =	ssub.s32 s16, s3  }
0x15: {  	p0 =	sgt.u32 s4, $0x3F  }
0x16: {  	s4 =	sshll.u32 @!p0 s4, $0x7  }
0x17: {  	s4 =	sand.u32 @!p0 $0x3FFFFF80, s4  }
0x18: {  	v1 =	vld @!p0 [tilespmem:s4+$0x80];
	_ =	sdelay $0x2  }
0x19: {  	s5 =	spop (v2sf)  }
0x1a: {  	(v2sf) =	vpush v0, $0x3;
	s5 =	ssub.s32 s5, s3  }
0x1b: {  	p1 =	sgt.u32 s5, $0x3F;
	v1 =	vadd.f32 @!p0 $1.000000000e+00, v1  }
0x1c: {  	s5 =	sshll.u32 @!p1 s5, $0x7  }
0x1d: {  	[tilespmem:s4+$0x80] =	vst @!p0 v1;
	s4 =	sand.u32 @!p1 $0x3FFFFF80, s5  }
0x1e: {  	v1 =	vld @!p1 [tilespmem:s4+$0x80];
	_ =	sdelay $0x2  }
0x1f: {  	s17 =	spop (v2sf)  }
0x20: {  	(v2sf) =	vpush v0, $0x4;
	s5 =	ssub.s32 s17, s3  }
0x21: {  	p0 =	sgt.u32 s5, $0x3F;
	v1 =	vadd.f32 @!p1 $1.000000000e+00, v1  }
0x22: {  	s5 =	sshll.u32 @!p0 s5, $0x7  }
0x23: {  	[tilespmem:s4+$0x80] =	vst @!p1 v1;
	s4 =	sand.u32 @!p0 $0x3FFFFF80, s5  }
0x24: {  	v1 =	vld @!p0 [tilespmem:s4+$0x80];
	_ =	sdelay $0x2  }
0x25: {  	s18 =	spop (v2sf)  }
0x26: {  	(v2sf) =	vpush v0, $0x5;
	s5 =	ssub.s32 s18, s3  }
0x27: {  	p1 =	sgt.u32 s5, $0x3F;
	v1 =	vadd.f32 @!p0 $1.000000000e+00, v1  }
0x28: {  	s5 =	sshll.u32 @!p1 s5, $0x7  }
0x29: {  	[tilespmem:s4+$0x80] =	vst @!p0 v1;
	s4 =	sand.u32 @!p1 $0x3FFFFF80, s5  }
0x2a: {  	v1 =	vld @!p1 [tilespmem:s4+$0x80];
	_ =	sdelay $0x2  }
0x2b: {  	s19 =	spop (v2sf)  }
0x2c: {  	(v2sf) =	vpush v0, $0x6;
	s5 =	ssub.s32 s19, s3  }
0x2d: {  	p0 =	sgt.u32 s5, $0x3F;
	v1 =	vadd.f32 @!p1 $1.000000000e+00, v1  }
0x2e: {  	s5 =	sshll.u32 @!p0 s5, $0x7  }
0x2f: {  	[tilespmem:s4+$0x80] =	vst @!p1 v1;
	s4 =	sand.u32 @!p0 $0x3FFFFF80, s5  }
0x30: {  	v1 =	vld @!p0 [tilespmem:s4+$0x80];
	_ =	sdelay $0x2  }
0x31: {  	s20 =	spop (v2sf)  }
0x32: {  	(v2sf) =	vpush v0, $0x7;
	s5 =	ssub.s32 s20, s3  }
0x33: {  	p1 =	sgt.u32 s5, $0x3F;
	v1 =	vadd.f32 @!p0 $1.000000000e+00, v1  }
0x34: {  	s5 =	sshll.u32 @!p1 s5, $0x7  }
0x35: {  	[tilespmem:s4+$0x80] =	vst @!p0 v1;
	s4 =	sand.u32 @!p1 $0x3FFFFF80, s5  }
0x36: {  	v1 =	vld @!p1 [tilespmem:s4+$0x80];
	_ =	sdelay $0x2  }
0x37: {  	s21 =	spop (v2sf)  }
0x38: {  	(v2sf) =	vpush v0, $0x8;
	s5 =	ssub.s32 s21, s3  }
0x39: {  	p0 =	sgt.u32 s5, $0x3F;
	v1 =	vadd.f32 @!p1 $1.000000000e+00, v1  }
0x3a: {  	s5 =	sshll.u32 @!p0 s5, $0x7  }
0x3b: {  	[tilespmem:s4+$0x80] =	vst @!p1 v1;
	s4 =	sand.u32 @!p0 $0x3FFFFF80, s5  }
0x3c: {  	v1 =	vld @!p0 [tilespmem:s4+$0x80];
	_ =	sdelay $0x2  }
0x3d: {  	s22 =	spop (v2sf)  }
0x3e: {  	(v2sf) =	vpush v0, $0x9;
	s5 =	ssub.s32 s22, s3  }
0x3f: {  	p1 =	sgt.u32 s5, $0x3F;
	v1 =	vadd.f32 @!p0 $1.000000000e+00, v1  }
0x40: {  	s5 =	sshll.u32 @!p1 s5, $0x7  }
0x41: {  	[tilespmem:s4+$0x80] =	vst @!p0 v1;
	s4 =	sand.u32 @!p1 $0x3FFFFF80, s5  }
0x42: {  	v1 =	vld @!p1 [tilespmem:s4+$0x80];
	_ =	sdelay $0x2  }
0x43: {  	s23 =	spop (v2sf)  }
0x44: {  	(v2sf) =	vpush v0, $0xA;
	s5 =	ssub.s32 s23, s3  }
0x45: {  	p0 =	sgt.u32 s5, $0x3F;
	v1 =	vadd.f32 @!p1 $1.000000000e+00, v1  }
0x46: {  	s5 =	sshll.u32 @!p0 s5, $0x7  }
0x47: {  	[tilespmem:s4+$0x80] =	vst @!p1 v1;
	s4 =	sand.u32 @!p0 $0x3FFFFF80, s5  }
0x48: {  	v1 =	vld @!p0 [tilespmem:s4+$0x80];
	_ =	sdelay $0x2  }
0x49: {  	s24 =	spop (v2sf)  }
0x4a: {  	(v2sf) =	vpush v0, $0xB;
	s5 =	ssub.s32 s24, s3  }
0x4b: {  	p1 =	sgt.u32 s5, $0x3F;
	v1 =	vadd.f32 @!p0 $1.000000000e+00, v1  }
0x4c: {  	s5 =	sshll.u32 @!p1 s5, $0x7  }
0x4d: {  	[tilespmem:s4+$0x80] =	vst @!p0 v1;
	s4 =	sand.u32 @!p1 $0x3FFFFF80, s5  }
0x4e: {  	v1 =	vld @!p1 [tilespmem:s4+$0x80];
	_ =	sdelay $0x2  }
0x4f: {  	s25 =	spop (v2sf)  }
0x50: {  	(v2sf) =	vpush v0, $0xC;
	s5 =	ssub.s32 s25, s3  }
0x51: {  	p0 =	sgt.u32 s5, $0x3F;
	v1 =	vadd.f32 @!p1 $1.000000000e+00, v1  }
0x52: {  	s5 =	sshll.u32 @!p0 s5, $0x7  }
0x53: {  	[tilespmem:s4+$0x80] =	vst @!p1 v1;
	s4 =	sand.u32 @!p0 $0x3FFFFF80, s5  }
0x54: {  	v1 =	vld @!p0 [tilespmem:s4+$0x80];
	_ =	sdelay $0x2  }
0x55: {  	s26 =	spop (v2sf)  }
0x56: {  	(v2sf) =	vpush v0, $0xD;
	s5 =	ssub.s32 s26, s3  }
0x57: {  	p1 =	sgt.u32 s5, $0x3F;
	v1 =	vadd.f32 @!p0 $1.000000000e+00, v1  }
0x58: {  	s5 =	sshll.u32 @!p1 s5, $0x7  }
0x59: {  	[tilespmem:s4+$0x80] =	vst @!p0 v1;
	s4 =	sand.u32 @!p1 $0x3FFFFF80, s5  }
0x5a: {  	v1 =	vld @!p1 [tilespmem:s4+$0x80];
	_ =	sdelay $0x2  }
0x5b: {  	s28 =	spop (v2sf)  }
0x5c: {  	(v2sf) =	vpush v0, $0xE;
	s5 =	ssub.s32 s28, s3  }
0x5d: {  	p0 =	sgt.u32 s5, $0x3F;
	v1 =	vadd.f32 @!p1 $1.000000000e+00, v1  }
0x5e: {  	s5 =	sshll.u32 @!p0 s5, $0x7  }
0x5f: {  	[tilespmem:s4+$0x80] =	vst @!p1 v1;
	s4 =	sand.u32 @!p0 $0x3FFFFF80, s5  }
0x60: {  	v1 =	vld @!p0 [tilespmem:s4+$0x80];
	_ =	sdelay $0x2  }
0x61: {  	s29 =	spop (v2sf)  }
0x62: {  	(v2sf) =	vpush v0, $0xF;
	s5 =	ssub.s32 s29, s3  }
0x63: {  	p1 =	sgt.u32 s5, $0x3F;
	v0 =	vadd.f32 @!p0 $1.000000000e+00, v1  }
0x64: {  	s5 =	sshll.u32 @!p1 s5, $0x7  }
0x65: {  	[tilespmem:s4+$0x80] =	vst @!p0 v0;
	s4 =	sand.u32 @!p1 $0x3FFFFF80, s5  }
0x66: {  	v0 =	vld @!p1 [tilespmem:s4+$0x80];
	_ =	sdelay $0x2  }
0x67: {  	s30 =	spop (v2sf)  }
0x68: {  	s5 =	ssub.s32 s30, s3  }
0x69: {  	p0 =	sgt.u32 s5, $0x3F;
	v0 =	vadd.f32 @!p1 $1.000000000e+00, v0  }
0x6a: {  	s5 =	sshll.u32 @!p0 s5, $0x7  }
0x6b: {  	[tilespmem:s4+$0x80] =	vst @!p1 v0;
	s4 =	sand.u32 @!p0 $0x3FFFFF80, s5  }
0x6c: {  	v0 =	vld @!p0 [tilespmem:s4+$0x80];
	_ =	sdelay $0x2  }
0x6d: {  	s31 =	spop (v2sf)  }
0x6e: {  	s5 =	ssub.s32 s31, s3  }
0x6f: {  	p1 =	sgt.u32 s5, $0x3F;
	v0 =	vadd.f32 @!p0 $1.000000000e+00, v0  }
0x70: {  	s5 =	sshll.u32 @!p1 s5, $0x7  }
0x71: {  	s6 =	sand.u32 @!p1 $0x3FFFFF80, s5;
	[tilespmem:s4+$0x80] =	vst @!p0 v0  }
0x72: {  	v0 =	vld @!p1 [tilespmem:s6+$0x80];
	_ =	sdelay $0x4  }
0x73: {  	s5 =	simm.s32 $0x80;
	s4 =	simm.s32 $0x40;
	v0 =	vadd.f32 @!p1 $1.000000000e+00, v0  }
.LBB2_3:
0x74: {  	_ = 	snop  }
0x75: {  	s7 =	sshra.s32 s4, $0x2;
	s4 =	smov.u32 s5;
	s5 =	sadd.s32 $0x40, s5;
	[tilespmem:s6+$0x80] =	vst @!p1 v0  }
0x76: {  	p0 =	sne.s32 s5, $0x200;
	v0 =	vld [tilespmem:s7+$0x0];
	_ =	sdelay $0x4  }
0x77: {  	(v2sf) =	vpush v0, $0x0  }
0x78: {  	(v2sf) =	vpush v0, $0x1  }
0x79: {  	(v2sf) =	vpush v0, $0x2  }
0x7a: {  	(v2sf) =	vpush v0, $0x3  }
0x7b: {  	(v2sf) =	vpush v0, $0x4  }
0x7c: {  	(v2sf) =	vpush v0, $0x5  }
0x7d: {  	(v2sf) =	vpush v0, $0x6  }
0x7e: {  	(v2sf) =	vpush v0, $0x7  }
0x7f: {  	(v2sf) =	vpush v0, $0x8  }
0x80: {  	(v2sf) =	vpush v0, $0x9  }
0x81: {  	(v2sf) =	vpush v0, $0xA  }
0x82: {  	(v2sf) =	vpush v0, $0xB  }
0x83: {  	(v2sf) =	vpush v0, $0xC  }
0x84: {  	(v2sf) =	vpush v0, $0xD  }
0x85: {  	(v2sf) =	vpush v0, $0xE  }
0x86: {  	s6 =	spop (v2sf);
	(v2sf) =	vpush v0, $0xF  }
0x87: {  	s6 =	ssub.s32 s6, s3;
	s7 =	spop (v2sf)  }
0x88: {  	p1 =	sgt.u32 s6, $0x3F;
	s7 =	ssub.s32 s7, s3;
	s8 =	spop (v2sf)  }
0x89: {  	s6 =	sshll.u32 @!p1 s6, $0x7;
	s19 =	ssub.s32 s8, s3;
	s8 =	spop (v2sf)  }
0x8a: {  	s6 =	sand.u32 @!p1 $0x3FFFFF80, s6;
	s18 =	ssub.s32 s8, s3;
	s8 =	spop (v2sf)  }
0x8b: {  	v0 =	vld @!p1 [tilespmem:s6+$0x80];
	s17 =	ssub.s32 s8, s3;
	s8 =	spop (v2sf)  }
0x8c: {  	s16 =	ssub.s32 s8, s3;
	s8 =	spop (v2sf)  }
0x8d: {  	s15 =	ssub.s32 s8, s3;
	s8 =	spop (v2sf)  }
0x8e: {  	s14 =	ssub.s32 s8, s3;
	s8 =	spop (v2sf)  }
0x8f: {  	s13 =	ssub.s32 s8, s3;
	s8 =	spop (v2sf)  }
0x90: {  	p2 =	sgt.u32 s7, $0x3F;
	v0 =	vadd.f32 @!p1 $1.000000000e+00, v0;
	s12 =	ssub.s32 s8, s3;
	s8 =	spop (v2sf)  }
0x91: {  	s7 =	sshll.u32 @!p2 s7, $0x7;
	s11 =	ssub.s32 s8, s3;
	s8 =	spop (v2sf)  }
0x92: {  	s20 =	sand.u32 @!p2 $0x3FFFFF80, s7;
	[tilespmem:s6+$0x80] =	vst @!p1 v0;
	s10 =	ssub.s32 s8, s3;
	s6 =	spop (v2sf)  }
0x93: {  	v0 =	vld @!p2 [tilespmem:s20+$0x80];
	s9 =	ssub.s32 s6, s3;
	s6 =	spop (v2sf)  }
0x94: {  	s8 =	ssub.s32 s6, s3;
	s6 =	spop (v2sf)  }
0x95: {  	s7 =	ssub.s32 s6, s3;
	s6 =	spop (v2sf)  }
0x96: {  	s6 =	ssub.s32 s6, s3;
	_ =	sdelay $0x1  }
0x97: {  	p1 =	sgt.u32 s19, $0x3F;
	v0 =	vadd.f32 @!p2 $1.000000000e+00, v0  }
0x98: {  	s19 =	sshll.u32 @!p1 s19, $0x7  }
0x99: {  	s19 =	sand.u32 @!p1 $0x3FFFFF80, s19;
	[tilespmem:s20+$0x80] =	vst @!p2 v0  }
0x9a: {  	v0 =	vld @!p1 [tilespmem:s19+$0x80];
	_ =	sdelay $0x4  }
0x9b: {  	p2 =	sgt.u32 s18, $0x3F;
	v0 =	vadd.f32 @!p1 $1.000000000e+00, v0  }
0x9c: {  	s18 =	sshll.u32 @!p2 s18, $0x7  }
0x9d: {  	s18 =	sand.u32 @!p2 $0x3FFFFF80, s18;
	[tilespmem:s19+$0x80] =	vst @!p1 v0  }
0x9e: {  	v0 =	vld @!p2 [tilespmem:s18+$0x80];
	_ =	sdelay $0x4  }
0x9f: {  	p1 =	sgt.u32 s17, $0x3F;
	v0 =	vadd.f32 @!p2 $1.000000000e+00, v0  }
0xa0: {  	s17 =	sshll.u32 @!p1 s17, $0x7  }
0xa1: {  	s17 =	sand.u32 @!p1 $0x3FFFFF80, s17;
	[tilespmem:s18+$0x80] =	vst @!p2 v0  }
0xa2: {  	v0 =	vld @!p1 [tilespmem:s17+$0x80];
	_ =	sdelay $0x4  }
0xa3: {  	p2 =	sgt.u32 s16, $0x3F;
	v0 =	vadd.f32 @!p1 $1.000000000e+00, v0  }
0xa4: {  	s16 =	sshll.u32 @!p2 s16, $0x7  }
0xa5: {  	s16 =	sand.u32 @!p2 $0x3FFFFF80, s16;
	[tilespmem:s17+$0x80] =	vst @!p1 v0  }
0xa6: {  	v0 =	vld @!p2 [tilespmem:s16+$0x80];
	_ =	sdelay $0x4  }
0xa7: {  	p1 =	sgt.u32 s15, $0x3F;
	v0 =	vadd.f32 @!p2 $1.000000000e+00, v0  }
0xa8: {  	s15 =	sshll.u32 @!p1 s15, $0x7  }
0xa9: {  	s15 =	sand.u32 @!p1 $0x3FFFFF80, s15;
	[tilespmem:s16+$0x80] =	vst @!p2 v0  }
0xaa: {  	v0 =	vld @!p1 [tilespmem:s15+$0x80];
	_ =	sdelay $0x4  }
0xab: {  	p2 =	sgt.u32 s14, $0x3F;
	v0 =	vadd.f32 @!p1 $1.000000000e+00, v0  }
0xac: {  	s14 =	sshll.u32 @!p2 s14, $0x7  }
0xad: {  	s14 =	sand.u32 @!p2 $0x3FFFFF80, s14;
	[tilespmem:s15+$0x80] =	vst @!p1 v0  }
0xae: {  	v0 =	vld @!p2 [tilespmem:s14+$0x80];
	_ =	sdelay $0x4  }
0xaf: {  	p1 =	sgt.u32 s13, $0x3F;
	v0 =	vadd.f32 @!p2 $1.000000000e+00, v0  }
0xb0: {  	s13 =	sshll.u32 @!p1 s13, $0x7  }
0xb1: {  	s13 =	sand.u32 @!p1 $0x3FFFFF80, s13;
	[tilespmem:s14+$0x80] =	vst @!p2 v0  }
0xb2: {  	v0 =	vld @!p1 [tilespmem:s13+$0x80];
	_ =	sdelay $0x4  }
0xb3: {  	p2 =	sgt.u32 s12, $0x3F;
	v0 =	vadd.f32 @!p1 $1.000000000e+00, v0  }
0xb4: {  	s12 =	sshll.u32 @!p2 s12, $0x7  }
0xb5: {  	s12 =	sand.u32 @!p2 $0x3FFFFF80, s12;
	[tilespmem:s13+$0x80] =	vst @!p1 v0  }
0xb6: {  	v0 =	vld @!p2 [tilespmem:s12+$0x80];
	_ =	sdelay $0x4  }
0xb7: {  	p1 =	sgt.u32 s11, $0x3F;
	v0 =	vadd.f32 @!p2 $1.000000000e+00, v0  }
0xb8: {  	s11 =	sshll.u32 @!p1 s11, $0x7  }
0xb9: {  	s11 =	sand.u32 @!p1 $0x3FFFFF80, s11;
	[tilespmem:s12+$0x80] =	vst @!p2 v0  }
0xba: {  	v0 =	vld @!p1 [tilespmem:s11+$0x80];
	_ =	sdelay $0x4  }
0xbb: {  	p2 =	sgt.u32 s10, $0x3F;
	v0 =	vadd.f32 @!p1 $1.000000000e+00, v0  }
0xbc: {  	s10 =	sshll.u32 @!p2 s10, $0x7  }
0xbd: {  	s10 =	sand.u32 @!p2 $0x3FFFFF80, s10;
	[tilespmem:s11+$0x80] =	vst @!p1 v0  }
0xbe: {  	v0 =	vld @!p2 [tilespmem:s10+$0x80];
	_ =	sdelay $0x4  }
0xbf: {  	p1 =	sgt.u32 s9, $0x3F;
	v0 =	vadd.f32 @!p2 $1.000000000e+00, v0  }
0xc0: {  	s9 =	sshll.u32 @!p1 s9, $0x7  }
0xc1: {  	s9 =	sand.u32 @!p1 $0x3FFFFF80, s9;
	[tilespmem:s10+$0x80] =	vst @!p2 v0  }
0xc2: {  	v0 =	vld @!p1 [tilespmem:s9+$0x80];
	_ =	sdelay $0x4  }
0xc3: {  	p2 =	sgt.u32 s8, $0x3F;
	v0 =	vadd.f32 @!p1 $1.000000000e+00, v0  }
0xc4: {  	s8 =	sshll.u32 @!p2 s8, $0x7  }
0xc5: {  	s8 =	sand.u32 @!p2 $0x3FFFFF80, s8;
	[tilespmem:s9+$0x80] =	vst @!p1 v0  }
0xc6: {  	v0 =	vld @!p2 [tilespmem:s8+$0x80];
	_ =	sdelay $0x4  }
0xc7: {  	p3 =	sgt.u32 s7, $0x3F;
	v0 =	vadd.f32 @!p2 $1.000000000e+00, v0  }
0xc8: {  	s7 =	sshll.u32 @!p3 s7, $0x7  }
0xc9: {  	s7 =	sand.u32 @!p3 $0x3FFFFF80, s7;
	[tilespmem:s8+$0x80] =	vst @!p2 v0  }
0xca: {  	v0 =	vld @!p3 [tilespmem:s7+$0x80];
	_ =	sdelay $0x4  }
0xcb: {  	p1 =	sgt.u32 s6, $0x3F;
	v0 =	vadd.f32 @!p3 $1.000000000e+00, v0  }
0xcc: {  	s6 =	sshll.u32 @!p1 s6, $0x7  }
0xcd: {  	s6 =	sand.u32 @!p1 $0x3FFFFF80, s6;
	[tilespmem:s7+$0x80] =	vst @!p3 v0  }
0xce: {  	v0 =	vld @!p1 [tilespmem:s6+$0x80]  }
.Ltmp1:
0xcf: {  	(pc) =	sbr.rel @p0 .LBB2_3-.Ltmp1, $2  }
0xd0: {  	_ =	sdelay $0x2  }
0xd1: {  	v0 =	vadd.f32 @!p1 $1.000000000e+00, v0  }
0xd2: {  	_ = 	snop  }
0xd3: {  	s4 =	sshra.s32 s4, $0x2;
	[tilespmem:s6+$0x80] =	vst @!p1 v0  }
0xd4: {  	v0 =	vld [tilespmem:s4+$0x0];
	_ =	sdelay $0x4  }
0xd5: {  	(v2sf) =	vpush v0, $0x0;
	_ =	sdelay $0x7  }
0xd6: {  	(v2sf) =	vpush v0, $0x1;
	_ =	sdelay $0x6  }
0xd7: {  	s12 =	spop (v2sf)  }
0xd8: {  	(v2sf) =	vpush v0, $0x2;
	s4 =	ssub.s32 s12, s3  }
0xd9: {  	p0 =	sgt.u32 s4, $0x3F  }
0xda: {  	s4 =	sshll.u32 @!p0 s4, $0x7  }
0xdb: {  	s4 =	sand.u32 @!p0 $0x3FFFFF80, s4  }
0xdc: {  	v1 =	vld @!p0 [tilespmem:s4+$0x80];
	_ =	sdelay $0x2  }
0xdd: {  	s5 =	spop (v2sf)  }
0xde: {  	(v2sf) =	vpush v0, $0x3;
	s5 =	ssub.s32 s5, s3  }
0xdf: {  	p1 =	sgt.u32 s5, $0x3F;
	v1 =	vadd.f32 @!p0 $1.000000000e+00, v1  }
0xe0: {  	s5 =	sshll.u32 @!p1 s5, $0x7  }
0xe1: {  	[tilespmem:s4+$0x80] =	vst @!p0 v1;
	s4 =	sand.u32 @!p1 $0x3FFFFF80, s5  }
0xe2: {  	v1 =	vld @!p1 [tilespmem:s4+$0x80];
	_ =	sdelay $0x2  }
0xe3: {  	s13 =	spop (v2sf)  }
0xe4: {  	(v2sf) =	vpush v0, $0x4;
	s5 =	ssub.s32 s13, s3  }
0xe5: {  	p0 =	sgt.u32 s5, $0x3F;
	v1 =	vadd.f32 @!p1 $1.000000000e+00, v1  }
0xe6: {  	s5 =	sshll.u32 @!p0 s5, $0x7  }
0xe7: {  	[tilespmem:s4+$0x80] =	vst @!p1 v1;
	s4 =	sand.u32 @!p0 $0x3FFFFF80, s5  }
0xe8: {  	v1 =	vld @!p0 [tilespmem:s4+$0x80];
	_ =	sdelay $0x2  }
0xe9: {  	s14 =	spop (v2sf)  }
0xea: {  	(v2sf) =	vpush v0, $0x5;
	s5 =	ssub.s32 s14, s3  }
0xeb: {  	p1 =	sgt.u32 s5, $0x3F;
	v1 =	vadd.f32 @!p0 $1.000000000e+00, v1  }
0xec: {  	s5 =	sshll.u32 @!p1 s5, $0x7  }
0xed: {  	[tilespmem:s4+$0x80] =	vst @!p0 v1;
	s4 =	sand.u32 @!p1 $0x3FFFFF80, s5  }
0xee: {  	v1 =	vld @!p1 [tilespmem:s4+$0x80];
	_ =	sdelay $0x2  }
0xef: {  	s15 =	spop (v2sf)  }
0xf0: {  	(v2sf) =	vpush v0, $0x6;
	s5 =	ssub.s32 s15, s3  }
0xf1: {  	p0 =	sgt.u32 s5, $0x3F;
	v1 =	vadd.f32 @!p1 $1.000000000e+00, v1  }
0xf2: {  	s5 =	sshll.u32 @!p0 s5, $0x7  }
0xf3: {  	[tilespmem:s4+$0x80] =	vst @!p1 v1;
	s4 =	sand.u32 @!p0 $0x3FFFFF80, s5  }
0xf4: {  	v1 =	vld @!p0 [tilespmem:s4+$0x80];
	_ =	sdelay $0x2  }
0xf5: {  	s16 =	spop (v2sf)  }
0xf6: {  	(v2sf) =	vpush v0, $0x7;
	s5 =	ssub.s32 s16, s3  }
0xf7: {  	p1 =	sgt.u32 s5, $0x3F;
	v1 =	vadd.f32 @!p0 $1.000000000e+00, v1  }
0xf8: {  	s5 =	sshll.u32 @!p1 s5, $0x7  }
0xf9: {  	[tilespmem:s4+$0x80] =	vst @!p0 v1;
	s4 =	sand.u32 @!p1 $0x3FFFFF80, s5  }
0xfa: {  	v1 =	vld @!p1 [tilespmem:s4+$0x80];
	_ =	sdelay $0x2  }
0xfb: {  	s17 =	spop (v2sf)  }
0xfc: {  	(v2sf) =	vpush v0, $0x8;
	s5 =	ssub.s32 s17, s3  }
0xfd: {  	p0 =	sgt.u32 s5, $0x3F;
	v1 =	vadd.f32 @!p1 $1.000000000e+00, v1  }
0xfe: {  	s5 =	sshll.u32 @!p0 s5, $0x7  }
0xff: {  	[tilespmem:s4+$0x80] =	vst @!p1 v1;
	s4 =	sand.u32 @!p0 $0x3FFFFF80, s5  }
0x100: {  	v1 =	vld @!p0 [tilespmem:s4+$0x80];
	_ =	sdelay $0x2  }
0x101: {  	s18 =	spop (v2sf)  }
0x102: {  	(v2sf) =	vpush v0, $0x9;
	s5 =	ssub.s32 s18, s3  }
0x103: {  	p1 =	sgt.u32 s5, $0x3F;
	v1 =	vadd.f32 @!p0 $1.000000000e+00, v1  }
0x104: {  	s5 =	sshll.u32 @!p1 s5, $0x7  }
0x105: {  	[tilespmem:s4+$0x80] =	vst @!p0 v1;
	s4 =	sand.u32 @!p1 $0x3FFFFF80, s5  }
0x106: {  	v1 =	vld @!p1 [tilespmem:s4+$0x80];
	_ =	sdelay $0x2  }
0x107: {  	s19 =	spop (v2sf)  }
0x108: {  	(v2sf) =	vpush v0, $0xA;
	s5 =	ssub.s32 s19, s3  }
0x109: {  	p0 =	sgt.u32 s5, $0x3F;
	v1 =	vadd.f32 @!p1 $1.000000000e+00, v1  }
0x10a: {  	s5 =	sshll.u32 @!p0 s5, $0x7  }
0x10b: {  	[tilespmem:s4+$0x80] =	vst @!p1 v1;
	s4 =	sand.u32 @!p0 $0x3FFFFF80, s5  }
0x10c: {  	v1 =	vld @!p0 [tilespmem:s4+$0x80];
	_ =	sdelay $0x2  }
0x10d: {  	s20 =	spop (v2sf)  }
0x10e: {  	(v2sf) =	vpush v0, $0xB;
	s5 =	ssub.s32 s20, s3  }
0x10f: {  	p1 =	sgt.u32 s5, $0x3F;
	v1 =	vadd.f32 @!p0 $1.000000000e+00, v1  }
0x110: {  	s5 =	sshll.u32 @!p1 s5, $0x7  }
0x111: {  	[tilespmem:s4+$0x80] =	vst @!p0 v1;
	s4 =	sand.u32 @!p1 $0x3FFFFF80, s5  }
0x112: {  	v1 =	vld @!p1 [tilespmem:s4+$0x80];
	_ =	sdelay $0x2  }
0x113: {  	s21 =	spop (v2sf)  }
0x114: {  	(v2sf) =	vpush v0, $0xC;
	s5 =	ssub.s32 s21, s3  }
0x115: {  	p0 =	sgt.u32 s5, $0x3F;
	v1 =	vadd.f32 @!p1 $1.000000000e+00, v1  }
0x116: {  	s5 =	sshll.u32 @!p0 s5, $0x7  }
0x117: {  	[tilespmem:s4+$0x80] =	vst @!p1 v1;
	s4 =	sand.u32 @!p0 $0x3FFFFF80, s5  }
0x118: {  	v1 =	vld @!p0 [tilespmem:s4+$0x80];
	_ =	sdelay $0x2  }
0x119: {  	s22 =	spop (v2sf)  }
0x11a: {  	(v2sf) =	vpush v0, $0xD;
	s5 =	ssub.s32 s22, s3  }
0x11b: {  	p1 =	sgt.u32 s5, $0x3F;
	v1 =	vadd.f32 @!p0 $1.000000000e+00, v1  }
0x11c: {  	s5 =	sshll.u32 @!p1 s5, $0x7  }
0x11d: {  	[tilespmem:s4+$0x80] =	vst @!p0 v1;
	s4 =	sand.u32 @!p1 $0x3FFFFF80, s5  }
0x11e: {  	v1 =	vld @!p1 [tilespmem:s4+$0x80];
	_ =	sdelay $0x2  }
0x11f: {  	s23 =	spop (v2sf)  }
0x120: {  	(v2sf) =	vpush v0, $0xE;
	s5 =	ssub.s32 s23, s3  }
0x121: {  	p0 =	sgt.u32 s5, $0x3F;
	v1 =	vadd.f32 @!p1 $1.000000000e+00, v1  }
0x122: {  	s5 =	sshll.u32 @!p0 s5, $0x7  }
0x123: {  	[tilespmem:s4+$0x80] =	vst @!p1 v1;
	s4 =	sand.u32 @!p0 $0x3FFFFF80, s5  }
0x124: {  	v1 =	vld @!p0 [tilespmem:s4+$0x80];
	_ =	sdelay $0x2  }
0x125: {  	s24 =	spop (v2sf)  }
0x126: {  	(v2sf) =	vpush v0, $0xF;
	s5 =	ssub.s32 s24, s3  }
0x127: {  	p1 =	sgt.u32 s5, $0x3F;
	v0 =	vadd.f32 @!p0 $1.000000000e+00, v1  }
0x128: {  	s5 =	sshll.u32 @!p1 s5, $0x7  }
0x129: {  	[tilespmem:s4+$0x80] =	vst @!p0 v0;
	s4 =	sand.u32 @!p1 $0x3FFFFF80, s5  }
0x12a: {  	v0 =	vld @!p1 [tilespmem:s4+$0x80];
	_ =	sdelay $0x2  }
0x12b: {  	s25 =	spop (v2sf)  }
0x12c: {  	s5 =	ssub.s32 s25, s3  }
0x12d: {  	p0 =	sgt.u32 s5, $0x3F;
	v0 =	vadd.f32 @!p1 $1.000000000e+00, v0  }
0x12e: {  	s5 =	sshll.u32 @!p0 s5, $0x7  }
0x12f: {  	[tilespmem:s4+$0x80] =	vst @!p1 v0;
	s4 =	sand.u32 @!p0 $0x3FFFFF80, s5  }
0x130: {  	v0 =	vld @!p0 [tilespmem:s4+$0x80];
	_ =	sdelay $0x2  }
0x131: {  	s26 =	spop (v2sf)  }
0x132: {  	s5 =	ssub.s32 s26, s3  }
0x133: {  	p1 =	sgt.u32 s5, $0x3F;
	v0 =	vadd.f32 @!p0 $1.000000000e+00, v0  }
0x134: {  	s5 =	sshll.u32 @!p1 s5, $0x7  }
0x135: {  	[tilespmem:s4+$0x80] =	vst @!p0 v0;
	s4 =	sand.u32 @!p1 $0x3FFFFF80, s5  }
0x136: {  	v0 =	vld @!p1 [tilespmem:s4+$0x80];
	_ =	sdelay $0x4  }
0x137: {  	v0 =	vadd.f32 @!p1 $1.000000000e+00, v0  }
0x138: {  	s28 =	sshll.u32 s3, $0x4;
	s29 =	simm.s32 $0x0  }
0x139: {  	s30 =	simm.s32 $0x80;
	s31 =	simm.s32 $0x1;
	s2 =	sadd.s32 s2, s28;
	[tilespmem:s4+$0x80] =	vst @!p1 v0  }
0x13a: {  	[hbm4b:s2+s29] =	stream.linear.scatter [tilespmem:s30], [sflag:$0x1], $0x2000, $0x38;
	[tilespmem:$0x2080] =	vst v63  }
0x13b: {  	_ =	swait.ge [sflag:s31], $0x2000  }
0x13c: {  	[sflag:s31] =	ssyncset.done $0x0  }
0x13d: {  	[sflag:s31] =	ssyncadd.s32 $0xFFFFE000  }
0x13e: {  	_ =	sfence.sel $0x180000  }
0x13f: {  	[bflag:$0x0] =	sbarrier.arrive $0xFFFF  }
0x140: {  	p0 =	sne.s32 s1, $0x0;
	_ =	strace $0x90000047  }
0x141: {  	s0 =	sadd.s32 @!p0 $0x100000, s0;
	[bflag:$0x2] =	sbarrier.arrive $0xFFFF  }
0x142: {  	[sflag:s0] =	ssyncadd.tile.s32 @!p0 $0x1;
	_ =	shalt  }
.Lfunc_end2:
_tile_overlayer_lowered:
.L_overlay_start_2:
0x143: {  	(tag) =	ssettag $0x2  }
0x144: {  	s0 =	rddreg [dreg:$0x0];
	s2 =	stileid.u32  }
0x145: {  	s1 =	rddreg [dreg:$0x1];
	p0 =	sne.s32 s2, $0x0  }
0x146: {  	s3 =	rddreg [dreg:$0x2];
	[bflag:$0x3] =	sbarrier.arrive $0xFFFF;
	s2 =	simm.s32 @!p0 $0x1C01  }
0x147: {  	[timem:s3], [sflag:s2] =	dma.local @!p0 [hbm:s0], s1  }
0x148: {  	s0 =	simm.s32 @!p0 $0x1  }
0x149: {  	_ =	swait.ge @!p0 [sflag:s0], s1  }
0x14a: {  	s1 =	ssub.s32 @!p0 $0x0, s1;
	[sflag:s0] =	ssyncset.done @!p0 $0x0  }
0x14b: {  	[sflag:s0] =	ssyncadd.s32 @!p0 s1  }
0x14c: {  	[bflag:$0x3] =	sbarrier.arrive $0xFFFF  }
0x14d: {  	_ =	shalt  }

</sc_bundles>
